<compile_context>
chip_gen: v7x
topology: tpu7x:2x2x1
jax: 0.10.2.dev20260603
libtpu: 0.0.44.dev20260713+nightly
codegen_flags: <defaults>
</compile_context>

<pallas_src>
import functools

import jax
import jax.numpy as jnp
from jax import lax
from jax.experimental import pallas as pl
from jax.experimental.pallas import tpu as pltpu
from jax.experimental.pallas import tpu_sc as plsc

_NC = 2
_NS = 16
_W = _NC * _NS

_K = 128
_BLK = 256


def _agg_call(n_pad, c_chunks, d_model):
    rows_pt = n_pad // _NS
    mesh = plsc.VectorSubcoreMesh(core_axis_name="c", subcore_axis_name="s")

    @functools.partial(
        pl.kernel,
        out_type=jax.ShapeDtypeStruct((_NC, n_pad, d_model), jnp.float32),
        mesh=mesh,
        compiler_params=pltpu.CompilerParams(use_tc_tiling_on_sc=False),
        scratch_types=[
            pltpu.VMEM((c_chunks, _K), jnp.int32),
            pltpu.VMEM((c_chunks, _K), jnp.int32),
            pltpu.VMEM((_K, d_model), jnp.float32),
            pltpu.VMEM_SHARED((n_pad, d_model), jnp.float32),
            pltpu.SemaphoreType.DMA,
            pltpu.SemaphoreType.DMA,
        ],
    )
    def agg(g_hbm, srci_hbm, dsti_hbm, zeros_hbm, out_hbm,
            srci_v, dsti_v, buf, acc, gsem, ssem):
        cid = lax.axis_index("c")
        sid = lax.axis_index("s")
        wid = sid * _NC + cid
        pltpu.sync_copy(srci_hbm.at[wid], srci_v)
        pltpu.sync_copy(dsti_hbm.at[wid], dsti_v)
        pltpu.sync_copy(zeros_hbm, acc.at[pl.ds(sid * rows_pt, rows_pt)])
        plsc.subcore_barrier()

        ghalf = g_hbm.at[cid]

        @pl.loop(0, c_chunks)
        def _chunk(j):
            pltpu.async_copy(ghalf.at[srci_v.at[j]], buf, gsem).wait()
            pltpu.async_copy(buf, acc.at[dsti_v.at[j]], ssem, add=True).wait()

        plsc.subcore_barrier()
        pltpu.sync_copy(acc.at[pl.ds(sid * rows_pt, rows_pt)],
                        out_hbm.at[cid].at[pl.ds(sid * rows_pt, rows_pt)])

    return agg


def _deg_call(n_pad, c_chunks):
    rows_pt = n_pad // _NS
    mesh = plsc.VectorSubcoreMesh(core_axis_name="c", subcore_axis_name="s")

    @functools.partial(
        pl.kernel,
        out_type=jax.ShapeDtypeStruct((_NC, n_pad, 16), jnp.float32),
        mesh=mesh,
        compiler_params=pltpu.CompilerParams(use_tc_tiling_on_sc=False),
        scratch_types=[
            pltpu.VMEM((c_chunks, _K), jnp.int32),
            pltpu.VMEM((_K, 16), jnp.float32),
            pltpu.VMEM_SHARED((n_pad, 16), jnp.float32),
            pltpu.SemaphoreType.DMA,
        ],
    )
    def deg(dsti_hbm, ones_hbm, zeros_hbm, out_hbm, dsti_v, ones_v, acc, sem):
        cid = lax.axis_index("c")
        sid = lax.axis_index("s")
        wid = sid * _NC + cid
        pltpu.sync_copy(dsti_hbm.at[wid], dsti_v)
        pltpu.sync_copy(ones_hbm, ones_v)
        pltpu.sync_copy(zeros_hbm, acc.at[pl.ds(sid * rows_pt, rows_pt)])
        plsc.subcore_barrier()

        @pl.loop(0, c_chunks)
        def _chunk(j):
            pltpu.async_copy(ones_v, acc.at[dsti_v.at[j]], sem,
                             add=True).wait()

        plsc.subcore_barrier()
        pltpu.sync_copy(acc.at[pl.ds(sid * rows_pt, rows_pt)],
                        out_hbm.at[cid].at[pl.ds(sid * rows_pt, rows_pt)])

    return deg


def _tc_first(degparts, x_pad, w0):
    n_pad = x_pad.shape[0]
    d_model = w0.shape[1]

    def body(dp_ref, x_ref, w_ref, g_ref, d_ref):
        dp = dp_ref[...]
        deg = dp[0, :, 0:1] + dp[1, :, 0:1] + 1.0
        dcol = lax.rsqrt(deg)
        h = jnp.dot(x_ref[...], w_ref[...], preferred_element_type=jnp.float32)
        gh = dcol * h
        g_ref[0] = gh
        g_ref[1] = gh
        d_ref[...] = jnp.broadcast_to(dcol, (dcol.shape[0], d_model))

    return pl.pallas_call(
        body,
        grid=(n_pad // _BLK,),
        in_specs=[
            pl.BlockSpec((2, _BLK, 16), lambda i: (0, i, 0)),
            pl.BlockSpec((_BLK, x_pad.shape[1]), lambda i: (i, 0)),
            pl.BlockSpec(w0.shape, lambda i: (0, 0)),
        ],
        out_specs=[
            pl.BlockSpec((_NC, _BLK, d_model), lambda i: (0, i, 0)),
            pl.BlockSpec((_BLK, d_model), lambda i: (i, 0)),
        ],
        out_shape=[
            jax.ShapeDtypeStruct((_NC, n_pad, d_model), jnp.float32),
            jax.ShapeDtypeStruct((n_pad, d_model), jnp.float32),
        ],
    )(degparts, x_pad, w0)


def _tc_mid(parts, g0, d_bcast, b0, w1):
    _, n_pad, d_model = parts.shape

    def body(p_ref, g_ref, d_ref, b_ref, w_ref, o_ref):
        acc = p_ref[0] + p_ref[1] + g_ref[0]
        d = d_ref[...]
        z = jnp.maximum(d * acc + b_ref[...], 0.0)
        h = jnp.dot(z, w_ref[...], preferred_element_type=jnp.float32)
        g1 = d * h
        o_ref[0] = g1
        o_ref[1] = g1

    blk = pl.BlockSpec((_BLK, d_model), lambda i: (i, 0))
    dblk = pl.BlockSpec((_NC, _BLK, d_model), lambda i: (0, i, 0))
    return pl.pallas_call(
        body,
        grid=(n_pad // _BLK,),
        in_specs=[dblk, dblk, blk,
                  pl.BlockSpec((1, d_model), lambda i: (0, 0)),
                  pl.BlockSpec(w1.shape, lambda i: (0, 0))],
        out_specs=dblk,
        out_shape=jax.ShapeDtypeStruct((_NC, n_pad, d_model), jnp.float32),
    )(parts, g0, d_bcast, b0, w1)


def _tc_last(parts, g1, d_bcast, b1):
    _, n_pad, d_model = parts.shape

    def body(p_ref, g_ref, d_ref, b_ref, o_ref):
        acc = p_ref[0] + p_ref[1] + g_ref[0]
        o_ref[...] = jnp.maximum(d_ref[...] * acc + b_ref[...], 0.0)

    blk = pl.BlockSpec((_BLK, d_model), lambda i: (i, 0))
    dblk = pl.BlockSpec((_NC, _BLK, d_model), lambda i: (0, i, 0))
    return pl.pallas_call(
        body,
        grid=(n_pad // _BLK,),
        in_specs=[dblk, dblk, blk,
                  pl.BlockSpec((1, d_model), lambda i: (0, 0))],
        out_specs=blk,
        out_shape=jax.ShapeDtypeStruct((n_pad, d_model), jnp.float32),
    )(parts, g1, d_bcast, b1)


def kernel(x, edge_index, W0, b0, W1, b1):
    n = x.shape[0]
    e = edge_index.shape[1]
    d_model = W0.shape[1]

    n_pad = ((n + 1 + _BLK - 1) // _BLK) * _BLK
    dummy = n

    per_tile = -(-e // _W)
    c_chunks = -(-per_tile // _K)
    e_pad = _W * c_chunks * _K

    src = edge_index[0].astype(jnp.int32)
    dst = edge_index[1].astype(jnp.int32)
    src_p = jnp.concatenate([src, jnp.zeros((e_pad - e,), jnp.int32)])
    dst_p = jnp.concatenate([dst, jnp.full((e_pad - e,), dummy, jnp.int32)])
    srci = src_p.reshape(_W, c_chunks, _K)
    dsti = dst_p.reshape(_W, c_chunks, _K)

    x_pad = jnp.pad(x, ((0, n_pad - n), (0, 0)))
    rows_pt = n_pad // _NS
    zeros_wide = jnp.zeros((rows_pt, d_model), jnp.float32)
    zeros_16 = jnp.zeros((rows_pt, 16), jnp.float32)
    ones_16 = jnp.ones((_K, 16), jnp.float32)

    degparts = _deg_call(n_pad, c_chunks)(dsti, ones_16, zeros_16)
    g0, d_bcast = _tc_first(degparts, x_pad, W0)

    agg = _agg_call(n_pad, c_chunks, d_model)
    parts0 = agg(g0, srci, dsti, zeros_wide)
    g1 = _tc_mid(parts0, g0, d_bcast, b0.reshape(1, -1), W1)
    parts1 = agg(g1, srci, dsti, zeros_wide)
    out = _tc_last(parts1, g1, d_bcast, b1.reshape(1, -1))
    return out[:n]

# --- scband reference (transcript-rebuilt; emitter-appended) ---
"""Pipeline reference for scband-gcncomm-68478958568087 (READ-ONLY COPY).

The authoritative reference and input builder live on the scoring server;
editing this copy changes nothing except your own understanding.
"""

import jax, jax.numpy as jnp
import numpy as np

N_NODES = 10000
N_EDGES = 320000
D_IN = 128
D_HID = 128
D_OUT = 128


def setup_inputs(seed: int = 0) -> dict:
    key = jax.random.key(seed)
    k1, k2, k3, k4, k5, k6 = jax.random.split(key, 6)
    x = jax.random.normal(k1, (N_NODES, D_IN), dtype=jnp.float32)
    edge_index = jax.random.randint(k2, (2, N_EDGES), 0, N_NODES, dtype=jnp.int64)
    # GCNConv layer 0: in=D_IN, out=D_HID (glorot-style init)
    W0 = jax.random.normal(k3, (D_IN, D_HID), dtype=jnp.float32) * (1.0 / np.sqrt(D_IN))
    b0 = jnp.zeros((D_HID,), dtype=jnp.float32)
    # GCNConv layer 1: in=D_HID, out=D_OUT
    W1 = jax.random.normal(k4, (D_HID, D_OUT), dtype=jnp.float32) * (1.0 / np.sqrt(D_HID))
    b1 = jnp.zeros((D_OUT,), dtype=jnp.float32)
    return {"x": x, "edge_index": edge_index, "W0": W0, "b0": b0, "W1": W1, "b1": b1}


def _gcn_conv(x, W, b, src, dst, num_nodes):
    # PyG GCNConv: x' = D^{-1/2} (A + I) D^{-1/2} (X W) + b
    h = x @ W
    deg = jnp.zeros((num_nodes,), dtype=h.dtype).at[dst].add(1.0)
    deg_inv_sqrt = jnp.where(deg > 0, deg ** -0.5, 0.0)
    norm = deg_inv_sqrt[src] * deg_inv_sqrt[dst]
    msg = h[src] * norm[:, None]
    out = jnp.zeros((num_nodes, h.shape[1]), dtype=h.dtype).at[dst].add(msg)
    return out + b


def reference(x, edge_index, W0, b0, W1, b1):
    num_nodes = x.shape[0]
    loops = jnp.arange(num_nodes, dtype=edge_index.dtype)
    src = jnp.concatenate([edge_index[0], loops])
    dst = jnp.concatenate([edge_index[1], loops])
    # layer 0 + relu
    h = _gcn_conv(x, W0, b0, src, dst, num_nodes)
    h = jax.nn.relu(h)
    # layer 1 + relu
    h = _gcn_conv(h, W1, b1, src, dst, num_nodes)
    h = jax.nn.relu(h)
    return h

if __name__ == "__main__":
    import jax
    _d = setup_inputs()
    print(jax.jit(kernel)(*tuple(_d.values())))

</pallas_src>

<mosaic_0001>
#map = affine_map<(d0, d1) -> (0, 0, 0)>
#map1 = affine_map<(d0, d1) -> (0, 0)>
module attributes {stable_mosaic.version = 14 : i64} {
  func.func @deg(%arg0: i32, %arg1: i32, %arg2: memref<32x79x128xi32, #tpu.memory_space<hbm>>, %arg3: memref<128x16xf32, #tpu.memory_space<hbm>>, %arg4: memref<640x16xf32, #tpu.memory_space<hbm>>, %arg5: memref<2x10240x16xf32, #tpu.memory_space<hbm>>, %arg6: memref<79x128xi32, #tpu.memory_space<vmem>>, %arg7: memref<128x16xf32, #tpu.memory_space<vmem>>, %arg8: memref<10240x16xf32, #tpu.memory_space<vmem_shared>>, %arg9: memref<!tpu.dma_semaphore, #tpu.memory_space<semaphore_mem>>) attributes {dimension_semantics = [#tpu.dimension_semantics<core_parallel>, #tpu.dimension_semantics<subcore_parallel>], iteration_bounds = array<i64: 2, 16>, scalar_prefetch = 0 : i64, scratch_operands = 4 : i64, tpu.core_type = #tpu.core_type<sc_vector_subcore>, window_params = [{transform_indices = #map}, {transform_indices = #map1}, {transform_indices = #map1}, {transform_indices = #map}]} {
    %mul3A = arith.constant 2 : i32
    %mul3A_0 = arith.muli %arg1, %mul3A : i32
    %add3A = arith.addi %mul3A_0, %arg0 : i32
    "tpu.region"() ({
      %run_scoped3A = tpu.sem_alloc : memref<!tpu.dma_semaphore, #tpu.memory_space<semaphore_mem>>
      %dma_start3A = arith.constant 0 : i32
      %dma_start3A_12 = arith.constant 0 : i32
      %dma_start3A_13 = tpu.memref_slice %arg2[%add3A, %dma_start3A, %dma_start3A_12] : memref<32x79x128xi32, #tpu.memory_space<hbm>> -> memref<1x79x128xi32, #tpu.memory_space<hbm>>
      %dma_start3A_14 = tpu.memref_squeeze %dma_start3A_13 : memref<1x79x128xi32, #tpu.memory_space<hbm>> -> memref<79x128xi32, #tpu.memory_space<hbm>>
      %dma_start3A_15 = arith.constant 0 : i32
      %dma_start3A_16 = arith.constant 0 : i32
      %dma_start3A_17 = tpu.memref_slice %arg2[%add3A, %dma_start3A_15, %dma_start3A_16] : memref<32x79x128xi32, #tpu.memory_space<hbm>> -> memref<1x79x128xi32, #tpu.memory_space<hbm>>
      %dma_start3A_18 = tpu.memref_squeeze %dma_start3A_17 : memref<1x79x128xi32, #tpu.memory_space<hbm>> -> memref<79x128xi32, #tpu.memory_space<hbm>>
      tpu.enqueue_dma source(%dma_start3A_18 : memref<79x128xi32, #tpu.memory_space<hbm>>) target(%arg6 : memref<79x128xi32, #tpu.memory_space<vmem>>) target_semaphore(%run_scoped3A : memref<!tpu.dma_semaphore, #tpu.memory_space<semaphore_mem>>)
      %dma_wait3A = arith.constant 0 : i32
      %dma_wait3A_19 = arith.constant 0 : i32
      %dma_wait3A_20 = tpu.memref_slice %arg2[%add3A, %dma_wait3A, %dma_wait3A_19] : memref<32x79x128xi32, #tpu.memory_space<hbm>> -> memref<1x79x128xi32, #tpu.memory_space<hbm>>
      %dma_wait3A_21 = tpu.memref_squeeze %dma_wait3A_20 : memref<1x79x128xi32, #tpu.memory_space<hbm>> -> memref<79x128xi32, #tpu.memory_space<hbm>>
      %dma_wait3A_22 = arith.constant 0 : i32
      %dma_wait3A_23 = arith.constant 0 : i32
      %dma_wait3A_24 = tpu.memref_slice %arg2[%add3A, %dma_wait3A_22, %dma_wait3A_23] : memref<32x79x128xi32, #tpu.memory_space<hbm>> -> memref<1x79x128xi32, #tpu.memory_space<hbm>>
      %dma_wait3A_25 = tpu.memref_squeeze %dma_wait3A_24 : memref<1x79x128xi32, #tpu.memory_space<hbm>> -> memref<79x128xi32, #tpu.memory_space<hbm>>
      tpu.wait_dma2 semaphore(%run_scoped3A : memref<!tpu.dma_semaphore, #tpu.memory_space<semaphore_mem>>) src(%dma_wait3A_25 : memref<79x128xi32, #tpu.memory_space<hbm>>) dst(%arg6 : memref<79x128xi32, #tpu.memory_space<vmem>>)
      tpu.yield
    }) : () -> ()
    "tpu.region"() ({
      %run_scoped3A = tpu.sem_alloc : memref<!tpu.dma_semaphore, #tpu.memory_space<semaphore_mem>>
      tpu.enqueue_dma source(%arg3 : memref<128x16xf32, #tpu.memory_space<hbm>>) target(%arg7 : memref<128x16xf32, #tpu.memory_space<vmem>>) target_semaphore(%run_scoped3A : memref<!tpu.dma_semaphore, #tpu.memory_space<semaphore_mem>>)
      tpu.wait_dma2 semaphore(%run_scoped3A : memref<!tpu.dma_semaphore, #tpu.memory_space<semaphore_mem>>) src(%arg3 : memref<128x16xf32, #tpu.memory_space<hbm>>) dst(%arg7 : memref<128x16xf32, #tpu.memory_space<vmem>>)
      tpu.yield
    }) : () -> ()
    %mul3A_1 = arith.constant 640 : i32
    %mul3A_2 = arith.muli %arg1, %mul3A_1 : i32
    "tpu.region"() ({
      %run_scoped3A = tpu.sem_alloc : memref<!tpu.dma_semaphore, #tpu.memory_space<semaphore_mem>>
      %dma_start3A = arith.constant 0 : i32
      %dma_start3A_12 = tpu.memref_slice %arg8[%mul3A_2, %dma_start3A] : memref<10240x16xf32, #tpu.memory_space<vmem_shared>> -> memref<640x16xf32, #tpu.memory_space<vmem_shared>>
      tpu.enqueue_dma source(%arg4 : memref<640x16xf32, #tpu.memory_space<hbm>>) target(%dma_start3A_12 : memref<640x16xf32, #tpu.memory_space<vmem_shared>>) target_semaphore(%run_scoped3A : memref<!tpu.dma_semaphore, #tpu.memory_space<semaphore_mem>>)
      %dma_wait3A = arith.constant 0 : i32
      %dma_wait3A_13 = tpu.memref_slice %arg8[%mul3A_2, %dma_wait3A] : memref<10240x16xf32, #tpu.memory_space<vmem_shared>> -> memref<640x16xf32, #tpu.memory_space<vmem_shared>>
      tpu.wait_dma2 semaphore(%run_scoped3A : memref<!tpu.dma_semaphore, #tpu.memory_space<semaphore_mem>>) src(%arg4 : memref<640x16xf32, #tpu.memory_space<hbm>>) dst(%dma_wait3A_13 : memref<640x16xf32, #tpu.memory_space<vmem_shared>>)
      tpu.yield
    }) : () -> ()
    %barrier3A = arith.constant 0 : index
    tpu.barrier barrier_id(%barrier3A)
    %scan3A = arith.constant 0 : i32
    %scan3A_3 = arith.constant 79 : i32
    %scan3A_4 = arith.addi %scan3A, %scan3A_3 : i32
    %scan3A_5 = arith.constant 1 : i32
    scf.for %scan3A_12 = %scan3A to %scan3A_4 step %scan3A_5  : i32 {
      %mul3A_13 = arith.constant 1 : i32
      %mul3A_14 = arith.muli %scan3A_12, %mul3A_13 : i32
      %add3A_15 = arith.constant 0 : i32
      %add3A_16 = arith.addi %add3A_15, %mul3A_14 : i32
      %dma_start3A = arith.constant 0 : i32
      %dma_start3A_17 = tpu.memref_slice %arg6[%add3A_16, %dma_start3A] : memref<79x128xi32, #tpu.memory_space<vmem>> -> memref<1x128xi32, #tpu.memory_space<vmem>>
      %dma_start3A_18 = tpu.memref_squeeze %dma_start3A_17 : memref<1x128xi32, #tpu.memory_space<vmem>> -> memref<128xi32, #tpu.memory_space<vmem>>
      %dma_start3A_19 = arith.constant 0 : i32
      %dma_start3A_20 = arith.constant 0 : i32
      %dma_start3A_21 = tpu.memref_slice %arg8[%dma_start3A_19, %dma_start3A_20] : memref<10240x16xf32, #tpu.memory_space<vmem_shared>> -> memref<10240x16xf32, #tpu.memory_space<vmem_shared>>
      tpu.enqueue_indirect_dma source(%arg7 : memref<128x16xf32, #tpu.memory_space<vmem>>) target(%dma_start3A_21 : memref<10240x16xf32, #tpu.memory_space<vmem_shared>>) offsets(%dma_start3A_18 : memref<128xi32, #tpu.memory_space<vmem>>) semaphore(%arg9 : memref<!tpu.dma_semaphore, #tpu.memory_space<semaphore_mem>>) {add = true}
      %dma_wait3A = arith.constant 0 : i32
      %dma_wait3A_22 = tpu.memref_slice %arg6[%add3A_16, %dma_wait3A] : memref<79x128xi32, #tpu.memory_space<vmem>> -> memref<1x128xi32, #tpu.memory_space<vmem>>
      %dma_wait3A_23 = tpu.memref_squeeze %dma_wait3A_22 : memref<1x128xi32, #tpu.memory_space<vmem>> -> memref<128xi32, #tpu.memory_space<vmem>>
      %dma_wait3A_24 = arith.constant 0 : i32
      %dma_wait3A_25 = arith.constant 0 : i32
      %dma_wait3A_26 = tpu.memref_slice %arg8[%dma_wait3A_24, %dma_wait3A_25] : memref<10240x16xf32, #tpu.memory_space<vmem_shared>> -> memref<10240x16xf32, #tpu.memory_space<vmem_shared>>
      tpu.wait_indirect_dma semaphore(%arg9 : memref<!tpu.dma_semaphore, #tpu.memory_space<semaphore_mem>>) src(%arg7 : memref<128x16xf32, #tpu.memory_space<vmem>>) dst(%dma_wait3A_26 : memref<10240x16xf32, #tpu.memory_space<vmem_shared>>)
    }
    %scan3A_6 = arith.constant 79 : i32
    %barrier3A_7 = arith.constant 0 : index
    tpu.barrier barrier_id(%barrier3A_7)
    %mul3A_8 = arith.constant 640 : i32
    %mul3A_9 = arith.muli %arg1, %mul3A_8 : i32
    %mul3A_10 = arith.constant 640 : i32
    %mul3A_11 = arith.muli %arg1, %mul3A_10 : i32
    "tpu.region"() ({
      %run_scoped3A = tpu.sem_alloc : memref<!tpu.dma_semaphore, #tpu.memory_space<semaphore_mem>>
      %dma_start3A = arith.constant 0 : i32
      %dma_start3A_12 = arith.constant 0 : i32
      %dma_start3A_13 = tpu.memref_slice %arg5[%arg0, %dma_start3A, %dma_start3A_12] : memref<2x10240x16xf32, #tpu.memory_space<hbm>> -> memref<1x10240x16xf32, #tpu.memory_space<hbm>>
      %dma_start3A_14 = tpu.memref_squeeze %dma_start3A_13 : memref<1x10240x16xf32, #tpu.memory_space<hbm>> -> memref<10240x16xf32, #tpu.memory_space<hbm>>
      %dma_start3A_15 = arith.constant 0 : i32
      %dma_start3A_16 = tpu.memref_slice %dma_start3A_14[%mul3A_11, %dma_start3A_15] : memref<10240x16xf32, #tpu.memory_space<hbm>> -> memref<640x16xf32, #tpu.memory_space<hbm>>
      %dma_start3A_17 = arith.constant 0 : i32
      %dma_start3A_18 = tpu.memref_slice %arg8[%mul3A_9, %dma_start3A_17] : memref<10240x16xf32, #tpu.memory_space<vmem_shared>> -> memref<640x16xf32, #tpu.memory_space<vmem_shared>>
      tpu.enqueue_dma source(%dma_start3A_18 : memref<640x16xf32, #tpu.memory_space<vmem_shared>>) target(%dma_start3A_16 : memref<640x16xf32, #tpu.memory_space<hbm>>) target_semaphore(%run_scoped3A : memref<!tpu.dma_semaphore, #tpu.memory_space<semaphore_mem>>)
      %dma_wait3A = arith.constant 0 : i32
      %dma_wait3A_19 = arith.constant 0 : i32
      %dma_wait3A_20 = tpu.memref_slice %arg5[%arg0, %dma_wait3A, %dma_wait3A_19] : memref<2x10240x16xf32, #tpu.memory_space<hbm>> -> memref<1x10240x16xf32, #tpu.memory_space<hbm>>
      %dma_wait3A_21 = tpu.memref_squeeze %dma_wait3A_20 : memref<1x10240x16xf32, #tpu.memory_space<hbm>> -> memref<10240x16xf32, #tpu.memory_space<hbm>>
      %dma_wait3A_22 = arith.constant 0 : i32
      %dma_wait3A_23 = tpu.memref_slice %dma_wait3A_21[%mul3A_11, %dma_wait3A_22] : memref<10240x16xf32, #tpu.memory_space<hbm>> -> memref<640x16xf32, #tpu.memory_space<hbm>>
      %dma_wait3A_24 = arith.constant 0 : i32
      %dma_wait3A_25 = tpu.memref_slice %arg8[%mul3A_9, %dma_wait3A_24] : memref<10240x16xf32, #tpu.memory_space<vmem_shared>> -> memref<640x16xf32, #tpu.memory_space<vmem_shared>>
      tpu.wait_dma2 semaphore(%run_scoped3A : memref<!tpu.dma_semaphore, #tpu.memory_space<semaphore_mem>>) src(%dma_wait3A_25 : memref<640x16xf32, #tpu.memory_space<vmem_shared>>) dst(%dma_wait3A_23 : memref<640x16xf32, #tpu.memory_space<hbm>>)
      tpu.yield
    }) : () -> ()
    return
  }
}

#map = affine_map<(d0, d1) -> (0, 0, 0)>
#map1 = affine_map<(d0, d1) -> (0, 0)>
module attributes {stable_mosaic.version = 14 : i64} {
  func.func @agg(%arg0: i32, %arg1: i32, %arg2: memref<2x10240x128xf32, #tpu.memory_space<hbm>>, %arg3: memref<32x79x128xi32, #tpu.memory_space<hbm>>, %arg4: memref<32x79x128xi32, #tpu.memory_space<hbm>>, %arg5: memref<640x128xf32, #tpu.memory_space<hbm>>, %arg6: memref<2x10240x128xf32, #tpu.memory_space<hbm>>, %arg7: memref<79x128xi32, #tpu.memory_space<vmem>>, %arg8: memref<79x128xi32, #tpu.memory_space<vmem>>, %arg9: memref<128x128xf32, #tpu.memory_space<vmem>>, %arg10: memref<10240x128xf32, #tpu.memory_space<vmem_shared>>, %arg11: memref<!tpu.dma_semaphore, #tpu.memory_space<semaphore_mem>>, %arg12: memref<!tpu.dma_semaphore, #tpu.memory_space<semaphore_mem>>) attributes {dimension_semantics = [#tpu.dimension_semantics<core_parallel>, #tpu.dimension_semantics<subcore_parallel>], iteration_bounds = array<i64: 2, 16>, scalar_prefetch = 0 : i64, scratch_operands = 6 : i64, tpu.core_type = #tpu.core_type<sc_vector_subcore>, window_params = [{transform_indices = #map}, {transform_indices = #map}, {transform_indices = #map}, {transform_indices = #map1}, {transform_indices = #map}]} {
    %mul3A = arith.constant 2 : i32
    %mul3A_0 = arith.muli %arg1, %mul3A : i32
    %add3A = arith.addi %mul3A_0, %arg0 : i32
    "tpu.region"() ({
      %run_scoped3A = tpu.sem_alloc : memref<!tpu.dma_semaphore, #tpu.memory_space<semaphore_mem>>
      %dma_start3A = arith.constant 0 : i32
      %dma_start3A_12 = arith.constant 0 : i32
      %dma_start3A_13 = tpu.memref_slice %arg3[%add3A, %dma_start3A, %dma_start3A_12] : memref<32x79x128xi32, #tpu.memory_space<hbm>> -> memref<1x79x128xi32, #tpu.memory_space<hbm>>
      %dma_start3A_14 = tpu.memref_squeeze %dma_start3A_13 : memref<1x79x128xi32, #tpu.memory_space<hbm>> -> memref<79x128xi32, #tpu.memory_space<hbm>>
      %dma_start3A_15 = arith.constant 0 : i32
      %dma_start3A_16 = arith.constant 0 : i32
      %dma_start3A_17 = tpu.memref_slice %arg3[%add3A, %dma_start3A_15, %dma_start3A_16] : memref<32x79x128xi32, #tpu.memory_space<hbm>> -> memref<1x79x128xi32, #tpu.memory_space<hbm>>
      %dma_start3A_18 = tpu.memref_squeeze %dma_start3A_17 : memref<1x79x128xi32, #tpu.memory_space<hbm>> -> memref<79x128xi32, #tpu.memory_space<hbm>>
      tpu.enqueue_dma source(%dma_start3A_18 : memref<79x128xi32, #tpu.memory_space<hbm>>) target(%arg7 : memref<79x128xi32, #tpu.memory_space<vmem>>) target_semaphore(%run_scoped3A : memref<!tpu.dma_semaphore, #tpu.memory_space<semaphore_mem>>)
      %dma_wait3A = arith.constant 0 : i32
      %dma_wait3A_19 = arith.constant 0 : i32
      %dma_wait3A_20 = tpu.memref_slice %arg3[%add3A, %dma_wait3A, %dma_wait3A_19] : memref<32x79x128xi32, #tpu.memory_space<hbm>> -> memref<1x79x128xi32, #tpu.memory_space<hbm>>
      %dma_wait3A_21 = tpu.memref_squeeze %dma_wait3A_20 : memref<1x79x128xi32, #tpu.memory_space<hbm>> -> memref<79x128xi32, #tpu.memory_space<hbm>>
      %dma_wait3A_22 = arith.constant 0 : i32
      %dma_wait3A_23 = arith.constant 0 : i32
      %dma_wait3A_24 = tpu.memref_slice %arg3[%add3A, %dma_wait3A_22, %dma_wait3A_23] : memref<32x79x128xi32, #tpu.memory_space<hbm>> -> memref<1x79x128xi32, #tpu.memory_space<hbm>>
      %dma_wait3A_25 = tpu.memref_squeeze %dma_wait3A_24 : memref<1x79x128xi32, #tpu.memory_space<hbm>> -> memref<79x128xi32, #tpu.memory_space<hbm>>
      tpu.wait_dma2 semaphore(%run_scoped3A : memref<!tpu.dma_semaphore, #tpu.memory_space<semaphore_mem>>) src(%dma_wait3A_25 : memref<79x128xi32, #tpu.memory_space<hbm>>) dst(%arg7 : memref<79x128xi32, #tpu.memory_space<vmem>>)
      tpu.yield
    }) : () -> ()
    "tpu.region"() ({
      %run_scoped3A = tpu.sem_alloc : memref<!tpu.dma_semaphore, #tpu.memory_space<semaphore_mem>>
      %dma_start3A = arith.constant 0 : i32
      %dma_start3A_12 = arith.constant 0 : i32
      %dma_start3A_13 = tpu.memref_slice %arg4[%add3A, %dma_start3A, %dma_start3A_12] : memref<32x79x128xi32, #tpu.memory_space<hbm>> -> memref<1x79x128xi32, #tpu.memory_space<hbm>>
      %dma_start3A_14 = tpu.memref_squeeze %dma_start3A_13 : memref<1x79x128xi32, #tpu.memory_space<hbm>> -> memref<79x128xi32, #tpu.memory_space<hbm>>
      %dma_start3A_15 = arith.constant 0 : i32
      %dma_start3A_16 = arith.constant 0 : i32
      %dma_start3A_17 = tpu.memref_slice %arg4[%add3A, %dma_start3A_15, %dma_start3A_16] : memref<32x79x128xi32, #tpu.memory_space<hbm>> -> memref<1x79x128xi32, #tpu.memory_space<hbm>>
      %dma_start3A_18 = tpu.memref_squeeze %dma_start3A_17 : memref<1x79x128xi32, #tpu.memory_space<hbm>> -> memref<79x128xi32, #tpu.memory_space<hbm>>
      tpu.enqueue_dma source(%dma_start3A_18 : memref<79x128xi32, #tpu.memory_space<hbm>>) target(%arg8 : memref<79x128xi32, #tpu.memory_space<vmem>>) target_semaphore(%run_scoped3A : memref<!tpu.dma_semaphore, #tpu.memory_space<semaphore_mem>>)
      %dma_wait3A = arith.constant 0 : i32
      %dma_wait3A_19 = arith.constant 0 : i32
      %dma_wait3A_20 = tpu.memref_slice %arg4[%add3A, %dma_wait3A, %dma_wait3A_19] : memref<32x79x128xi32, #tpu.memory_space<hbm>> -> memref<1x79x128xi32, #tpu.memory_space<hbm>>
      %dma_wait3A_21 = tpu.memref_squeeze %dma_wait3A_20 : memref<1x79x128xi32, #tpu.memory_space<hbm>> -> memref<79x128xi32, #tpu.memory_space<hbm>>
      %dma_wait3A_22 = arith.constant 0 : i32
      %dma_wait3A_23 = arith.constant 0 : i32
      %dma_wait3A_24 = tpu.memref_slice %arg4[%add3A, %dma_wait3A_22, %dma_wait3A_23] : memref<32x79x128xi32, #tpu.memory_space<hbm>> -> memref<1x79x128xi32, #tpu.memory_space<hbm>>
      %dma_wait3A_25 = tpu.memref_squeeze %dma_wait3A_24 : memref<1x79x128xi32, #tpu.memory_space<hbm>> -> memref<79x128xi32, #tpu.memory_space<hbm>>
      tpu.wait_dma2 semaphore(%run_scoped3A : memref<!tpu.dma_semaphore, #tpu.memory_space<semaphore_mem>>) src(%dma_wait3A_25 : memref<79x128xi32, #tpu.memory_space<hbm>>) dst(%arg8 : memref<79x128xi32, #tpu.memory_space<vmem>>)
      tpu.yield
    }) : () -> ()
    %mul3A_1 = arith.constant 640 : i32
    %mul3A_2 = arith.muli %arg1, %mul3A_1 : i32
    "tpu.region"() ({
      %run_scoped3A = tpu.sem_alloc : memref<!tpu.dma_semaphore, #tpu.memory_space<semaphore_mem>>
      %dma_start3A = arith.constant 0 : i32
      %dma_start3A_12 = tpu.memref_slice %arg10[%mul3A_2, %dma_start3A] : memref<10240x128xf32, #tpu.memory_space<vmem_shared>> -> memref<640x128xf32, #tpu.memory_space<vmem_shared>>
      tpu.enqueue_dma source(%arg5 : memref<640x128xf32, #tpu.memory_space<hbm>>) target(%dma_start3A_12 : memref<640x128xf32, #tpu.memory_space<vmem_shared>>) target_semaphore(%run_scoped3A : memref<!tpu.dma_semaphore, #tpu.memory_space<semaphore_mem>>)
      %dma_wait3A = arith.constant 0 : i32
      %dma_wait3A_13 = tpu.memref_slice %arg10[%mul3A_2, %dma_wait3A] : memref<10240x128xf32, #tpu.memory_space<vmem_shared>> -> memref<640x128xf32, #tpu.memory_space<vmem_shared>>
      tpu.wait_dma2 semaphore(%run_scoped3A : memref<!tpu.dma_semaphore, #tpu.memory_space<semaphore_mem>>) src(%arg5 : memref<640x128xf32, #tpu.memory_space<hbm>>) dst(%dma_wait3A_13 : memref<640x128xf32, #tpu.memory_space<vmem_shared>>)
      tpu.yield
    }) : () -> ()
    %barrier3A = arith.constant 0 : index
    tpu.barrier barrier_id(%barrier3A)
    %scan3A = arith.constant 0 : i32
    %scan3A_3 = arith.constant 79 : i32
    %scan3A_4 = arith.addi %scan3A, %scan3A_3 : i32
    %scan3A_5 = arith.constant 1 : i32
    scf.for %scan3A_12 = %scan3A to %scan3A_4 step %scan3A_5  : i32 {
      %mul3A_13 = arith.constant 1 : i32
      %mul3A_14 = arith.muli %scan3A_12, %mul3A_13 : i32
      %add3A_15 = arith.constant 0 : i32
      %add3A_16 = arith.addi %add3A_15, %mul3A_14 : i32
      %dma_start3A = arith.constant 0 : i32
      %dma_start3A_17 = tpu.memref_slice %arg7[%add3A_16, %dma_start3A] : memref<79x128xi32, #tpu.memory_space<vmem>> -> memref<1x128xi32, #tpu.memory_space<vmem>>
      %dma_start3A_18 = tpu.memref_squeeze %dma_start3A_17 : memref<1x128xi32, #tpu.memory_space<vmem>> -> memref<128xi32, #tpu.memory_space<vmem>>
      %dma_start3A_19 = arith.constant 0 : i32
      %dma_start3A_20 = arith.constant 0 : i32
      %dma_start3A_21 = tpu.memref_slice %arg2[%arg0, %dma_start3A_19, %dma_start3A_20] : memref<2x10240x128xf32, #tpu.memory_space<hbm>> -> memref<1x10240x128xf32, #tpu.memory_space<hbm>>
      %dma_start3A_22 = tpu.memref_squeeze %dma_start3A_21 : memref<1x10240x128xf32, #tpu.memory_space<hbm>> -> memref<10240x128xf32, #tpu.memory_space<hbm>>
      %dma_start3A_23 = arith.constant 0 : i32
      %dma_start3A_24 = arith.constant 0 : i32
      %dma_start3A_25 = tpu.memref_slice %dma_start3A_22[%dma_start3A_23, %dma_start3A_24] : memref<10240x128xf32, #tpu.memory_space<hbm>> -> memref<10240x128xf32, #tpu.memory_space<hbm>>
      tpu.enqueue_indirect_dma source(%dma_start3A_25 : memref<10240x128xf32, #tpu.memory_space<hbm>>) target(%arg9 : memref<128x128xf32, #tpu.memory_space<vmem>>) offsets(%dma_start3A_18 : memref<128xi32, #tpu.memory_space<vmem>>) semaphore(%arg11 : memref<!tpu.dma_semaphore, #tpu.memory_space<semaphore_mem>>)
      %dma_wait3A = arith.constant 0 : i32
      %dma_wait3A_26 = tpu.memref_slice %arg7[%add3A_16, %dma_wait3A] : memref<79x128xi32, #tpu.memory_space<vmem>> -> memref<1x128xi32, #tpu.memory_space<vmem>>
      %dma_wait3A_27 = tpu.memref_squeeze %dma_wait3A_26 : memref<1x128xi32, #tpu.memory_space<vmem>> -> memref<128xi32, #tpu.memory_space<vmem>>
      %dma_wait3A_28 = arith.constant 0 : i32
      %dma_wait3A_29 = arith.constant 0 : i32
      %dma_wait3A_30 = tpu.memref_slice %arg2[%arg0, %dma_wait3A_28, %dma_wait3A_29] : memref<2x10240x128xf32, #tpu.memory_space<hbm>> -> memref<1x10240x128xf32, #tpu.memory_space<hbm>>
      %dma_wait3A_31 = tpu.memref_squeeze %dma_wait3A_30 : memref<1x10240x128xf32, #tpu.memory_space<hbm>> -> memref<10240x128xf32, #tpu.memory_space<hbm>>
      %dma_wait3A_32 = arith.constant 0 : i32
      %dma_wait3A_33 = arith.constant 0 : i32
      %dma_wait3A_34 = tpu.memref_slice %dma_wait3A_31[%dma_wait3A_32, %dma_wait3A_33] : memref<10240x128xf32, #tpu.memory_space<hbm>> -> memref<10240x128xf32, #tpu.memory_space<hbm>>
      tpu.wait_indirect_dma semaphore(%arg11 : memref<!tpu.dma_semaphore, #tpu.memory_space<semaphore_mem>>) src(%dma_wait3A_34 : memref<10240x128xf32, #tpu.memory_space<hbm>>) dst(%arg9 : memref<128x128xf32, #tpu.memory_space<vmem>>)
      %dma_start3A_35 = arith.constant 0 : i32
      %dma_start3A_36 = tpu.memref_slice %arg8[%add3A_16, %dma_start3A_35] : memref<79x128xi32, #tpu.memory_space<vmem>> -> memref<1x128xi32, #tpu.memory_space<vmem>>
      %dma_start3A_37 = tpu.memref_squeeze %dma_start3A_36 : memref<1x128xi32, #tpu.memory_space<vmem>> -> memref<128xi32, #tpu.memory_space<vmem>>
      %dma_start3A_38 = arith.constant 0 : i32
      %dma_start3A_39 = arith.constant 0 : i32
      %dma_start3A_40 = tpu.memref_slice %arg10[%dma_start3A_38, %dma_start3A_39] : memref<10240x128xf32, #tpu.memory_space<vmem_shared>> -> memref<10240x128xf32, #tpu.memory_space<vmem_shared>>
      tpu.enqueue_indirect_dma source(%arg9 : memref<128x128xf32, #tpu.memory_space<vmem>>) target(%dma_start3A_40 : memref<10240x128xf32, #tpu.memory_space<vmem_shared>>) offsets(%dma_start3A_37 : memref<128xi32, #tpu.memory_space<vmem>>) semaphore(%arg12 : memref<!tpu.dma_semaphore, #tpu.memory_space<semaphore_mem>>) {add = true}
      %dma_wait3A_41 = arith.constant 0 : i32
      %dma_wait3A_42 = tpu.memref_slice %arg8[%add3A_16, %dma_wait3A_41] : memref<79x128xi32, #tpu.memory_space<vmem>> -> memref<1x128xi32, #tpu.memory_space<vmem>>
      %dma_wait3A_43 = tpu.memref_squeeze %dma_wait3A_42 : memref<1x128xi32, #tpu.memory_space<vmem>> -> memref<128xi32, #tpu.memory_space<vmem>>
      %dma_wait3A_44 = arith.constant 0 : i32
      %dma_wait3A_45 = arith.constant 0 : i32
      %dma_wait3A_46 = tpu.memref_slice %arg10[%dma_wait3A_44, %dma_wait3A_45] : memref<10240x128xf32, #tpu.memory_space<vmem_shared>> -> memref<10240x128xf32, #tpu.memory_space<vmem_shared>>
      tpu.wait_indirect_dma semaphore(%arg12 : memref<!tpu.dma_semaphore, #tpu.memory_space<semaphore_mem>>) src(%arg9 : memref<128x128xf32, #tpu.memory_space<vmem>>) dst(%dma_wait3A_46 : memref<10240x128xf32, #tpu.memory_space<vmem_shared>>)
    }
    %scan3A_6 = arith.constant 79 : i32
    %barrier3A_7 = arith.constant 0 : index
    tpu.barrier barrier_id(%barrier3A_7)
    %mul3A_8 = arith.constant 640 : i32
    %mul3A_9 = arith.muli %arg1, %mul3A_8 : i32
    %mul3A_10 = arith.constant 640 : i32
    %mul3A_11 = arith.muli %arg1, %mul3A_10 : i32
    "tpu.region"() ({
      %run_scoped3A = tpu.sem_alloc : memref<!tpu.dma_semaphore, #tpu.memory_space<semaphore_mem>>
      %dma_start3A = arith.constant 0 : i32
      %dma_start3A_12 = arith.constant 0 : i32
      %dma_start3A_13 = tpu.memref_slice %arg6[%arg0, %dma_start3A, %dma_start3A_12] : memref<2x10240x128xf32, #tpu.memory_space<hbm>> -> memref<1x10240x128xf32, #tpu.memory_space<hbm>>
      %dma_start3A_14 = tpu.memref_squeeze %dma_start3A_13 : memref<1x10240x128xf32, #tpu.memory_space<hbm>> -> memref<10240x128xf32, #tpu.memory_space<hbm>>
      %dma_start3A_15 = arith.constant 0 : i32
      %dma_start3A_16 = tpu.memref_slice %dma_start3A_14[%mul3A_11, %dma_start3A_15] : memref<10240x128xf32, #tpu.memory_space<hbm>> -> memref<640x128xf32, #tpu.memory_space<hbm>>
      %dma_start3A_17 = arith.constant 0 : i32
      %dma_start3A_18 = tpu.memref_slice %arg10[%mul3A_9, %dma_start3A_17] : memref<10240x128xf32, #tpu.memory_space<vmem_shared>> -> memref<640x128xf32, #tpu.memory_space<vmem_shared>>
      tpu.enqueue_dma source(%dma_start3A_18 : memref<640x128xf32, #tpu.memory_space<vmem_shared>>) target(%dma_start3A_16 : memref<640x128xf32, #tpu.memory_space<hbm>>) target_semaphore(%run_scoped3A : memref<!tpu.dma_semaphore, #tpu.memory_space<semaphore_mem>>)
      %dma_wait3A = arith.constant 0 : i32
      %dma_wait3A_19 = arith.constant 0 : i32
      %dma_wait3A_20 = tpu.memref_slice %arg6[%arg0, %dma_wait3A, %dma_wait3A_19] : memref<2x10240x128xf32, #tpu.memory_space<hbm>> -> memref<1x10240x128xf32, #tpu.memory_space<hbm>>
      %dma_wait3A_21 = tpu.memref_squeeze %dma_wait3A_20 : memref<1x10240x128xf32, #tpu.memory_space<hbm>> -> memref<10240x128xf32, #tpu.memory_space<hbm>>
      %dma_wait3A_22 = arith.constant 0 : i32
      %dma_wait3A_23 = tpu.memref_slice %dma_wait3A_21[%mul3A_11, %dma_wait3A_22] : memref<10240x128xf32, #tpu.memory_space<hbm>> -> memref<640x128xf32, #tpu.memory_space<hbm>>
      %dma_wait3A_24 = arith.constant 0 : i32
      %dma_wait3A_25 = tpu.memref_slice %arg10[%mul3A_9, %dma_wait3A_24] : memref<10240x128xf32, #tpu.memory_space<vmem_shared>> -> memref<640x128xf32, #tpu.memory_space<vmem_shared>>
      tpu.wait_dma2 semaphore(%run_scoped3A : memref<!tpu.dma_semaphore, #tpu.memory_space<semaphore_mem>>) src(%dma_wait3A_25 : memref<640x128xf32, #tpu.memory_space<vmem_shared>>) dst(%dma_wait3A_23 : memref<640x128xf32, #tpu.memory_space<hbm>>)
      tpu.yield
    }) : () -> ()
    return
  }
}

#map = affine_map<(d0, d1) -> (0, 0, 0)>
#map1 = affine_map<(d0, d1) -> (0, 0)>
module attributes {stable_mosaic.version = 14 : i64} {
  func.func @agg(%arg0: i32, %arg1: i32, %arg2: memref<2x10240x128xf32, #tpu.memory_space<hbm>>, %arg3: memref<32x79x128xi32, #tpu.memory_space<hbm>>, %arg4: memref<32x79x128xi32, #tpu.memory_space<hbm>>, %arg5: memref<640x128xf32, #tpu.memory_space<hbm>>, %arg6: memref<2x10240x128xf32, #tpu.memory_space<hbm>>, %arg7: memref<79x128xi32, #tpu.memory_space<vmem>>, %arg8: memref<79x128xi32, #tpu.memory_space<vmem>>, %arg9: memref<128x128xf32, #tpu.memory_space<vmem>>, %arg10: memref<10240x128xf32, #tpu.memory_space<vmem_shared>>, %arg11: memref<!tpu.dma_semaphore, #tpu.memory_space<semaphore_mem>>, %arg12: memref<!tpu.dma_semaphore, #tpu.memory_space<semaphore_mem>>) attributes {dimension_semantics = [#tpu.dimension_semantics<core_parallel>, #tpu.dimension_semantics<subcore_parallel>], iteration_bounds = array<i64: 2, 16>, scalar_prefetch = 0 : i64, scratch_operands = 6 : i64, tpu.core_type = #tpu.core_type<sc_vector_subcore>, window_params = [{transform_indices = #map}, {transform_indices = #map}, {transform_indices = #map}, {transform_indices = #map1}, {transform_indices = #map}]} {
    %mul3A = arith.constant 2 : i32
    %mul3A_0 = arith.muli %arg1, %mul3A : i32
    %add3A = arith.addi %mul3A_0, %arg0 : i32
    "tpu.region"() ({
      %run_scoped3A = tpu.sem_alloc : memref<!tpu.dma_semaphore, #tpu.memory_space<semaphore_mem>>
      %dma_start3A = arith.constant 0 : i32
      %dma_start3A_12 = arith.constant 0 : i32
      %dma_start3A_13 = tpu.memref_slice %arg3[%add3A, %dma_start3A, %dma_start3A_12] : memref<32x79x128xi32, #tpu.memory_space<hbm>> -> memref<1x79x128xi32, #tpu.memory_space<hbm>>
      %dma_start3A_14 = tpu.memref_squeeze %dma_start3A_13 : memref<1x79x128xi32, #tpu.memory_space<hbm>> -> memref<79x128xi32, #tpu.memory_space<hbm>>
      %dma_start3A_15 = arith.constant 0 : i32
      %dma_start3A_16 = arith.constant 0 : i32
      %dma_start3A_17 = tpu.memref_slice %arg3[%add3A, %dma_start3A_15, %dma_start3A_16] : memref<32x79x128xi32, #tpu.memory_space<hbm>> -> memref<1x79x128xi32, #tpu.memory_space<hbm>>
      %dma_start3A_18 = tpu.memref_squeeze %dma_start3A_17 : memref<1x79x128xi32, #tpu.memory_space<hbm>> -> memref<79x128xi32, #tpu.memory_space<hbm>>
      tpu.enqueue_dma source(%dma_start3A_18 : memref<79x128xi32, #tpu.memory_space<hbm>>) target(%arg7 : memref<79x128xi32, #tpu.memory_space<vmem>>) target_semaphore(%run_scoped3A : memref<!tpu.dma_semaphore, #tpu.memory_space<semaphore_mem>>)
      %dma_wait3A = arith.constant 0 : i32
      %dma_wait3A_19 = arith.constant 0 : i32
      %dma_wait3A_20 = tpu.memref_slice %arg3[%add3A, %dma_wait3A, %dma_wait3A_19] : memref<32x79x128xi32, #tpu.memory_space<hbm>> -> memref<1x79x128xi32, #tpu.memory_space<hbm>>
      %dma_wait3A_21 = tpu.memref_squeeze %dma_wait3A_20 : memref<1x79x128xi32, #tpu.memory_space<hbm>> -> memref<79x128xi32, #tpu.memory_space<hbm>>
      %dma_wait3A_22 = arith.constant 0 : i32
      %dma_wait3A_23 = arith.constant 0 : i32
      %dma_wait3A_24 = tpu.memref_slice %arg3[%add3A, %dma_wait3A_22, %dma_wait3A_23] : memref<32x79x128xi32, #tpu.memory_space<hbm>> -> memref<1x79x128xi32, #tpu.memory_space<hbm>>
      %dma_wait3A_25 = tpu.memref_squeeze %dma_wait3A_24 : memref<1x79x128xi32, #tpu.memory_space<hbm>> -> memref<79x128xi32, #tpu.memory_space<hbm>>
      tpu.wait_dma2 semaphore(%run_scoped3A : memref<!tpu.dma_semaphore, #tpu.memory_space<semaphore_mem>>) src(%dma_wait3A_25 : memref<79x128xi32, #tpu.memory_space<hbm>>) dst(%arg7 : memref<79x128xi32, #tpu.memory_space<vmem>>)
      tpu.yield
    }) : () -> ()
    "tpu.region"() ({
      %run_scoped3A = tpu.sem_alloc : memref<!tpu.dma_semaphore, #tpu.memory_space<semaphore_mem>>
      %dma_start3A = arith.constant 0 : i32
      %dma_start3A_12 = arith.constant 0 : i32
      %dma_start3A_13 = tpu.memref_slice %arg4[%add3A, %dma_start3A, %dma_start3A_12] : memref<32x79x128xi32, #tpu.memory_space<hbm>> -> memref<1x79x128xi32, #tpu.memory_space<hbm>>
      %dma_start3A_14 = tpu.memref_squeeze %dma_start3A_13 : memref<1x79x128xi32, #tpu.memory_space<hbm>> -> memref<79x128xi32, #tpu.memory_space<hbm>>
      %dma_start3A_15 = arith.constant 0 : i32
      %dma_start3A_16 = arith.constant 0 : i32
      %dma_start3A_17 = tpu.memref_slice %arg4[%add3A, %dma_start3A_15, %dma_start3A_16] : memref<32x79x128xi32, #tpu.memory_space<hbm>> -> memref<1x79x128xi32, #tpu.memory_space<hbm>>
      %dma_start3A_18 = tpu.memref_squeeze %dma_start3A_17 : memref<1x79x128xi32, #tpu.memory_space<hbm>> -> memref<79x128xi32, #tpu.memory_space<hbm>>
      tpu.enqueue_dma source(%dma_start3A_18 : memref<79x128xi32, #tpu.memory_space<hbm>>) target(%arg8 : memref<79x128xi32, #tpu.memory_space<vmem>>) target_semaphore(%run_scoped3A : memref<!tpu.dma_semaphore, #tpu.memory_space<semaphore_mem>>)
      %dma_wait3A = arith.constant 0 : i32
      %dma_wait3A_19 = arith.constant 0 : i32
      %dma_wait3A_20 = tpu.memref_slice %arg4[%add3A, %dma_wait3A, %dma_wait3A_19] : memref<32x79x128xi32, #tpu.memory_space<hbm>> -> memref<1x79x128xi32, #tpu.memory_space<hbm>>
      %dma_wait3A_21 = tpu.memref_squeeze %dma_wait3A_20 : memref<1x79x128xi32, #tpu.memory_space<hbm>> -> memref<79x128xi32, #tpu.memory_space<hbm>>
      %dma_wait3A_22 = arith.constant 0 : i32
      %dma_wait3A_23 = arith.constant 0 : i32
      %dma_wait3A_24 = tpu.memref_slice %arg4[%add3A, %dma_wait3A_22, %dma_wait3A_23] : memref<32x79x128xi32, #tpu.memory_space<hbm>> -> memref<1x79x128xi32, #tpu.memory_space<hbm>>
      %dma_wait3A_25 = tpu.memref_squeeze %dma_wait3A_24 : memref<1x79x128xi32, #tpu.memory_space<hbm>> -> memref<79x128xi32, #tpu.memory_space<hbm>>
      tpu.wait_dma2 semaphore(%run_scoped3A : memref<!tpu.dma_semaphore, #tpu.memory_space<semaphore_mem>>) src(%dma_wait3A_25 : memref<79x128xi32, #tpu.memory_space<hbm>>) dst(%arg8 : memref<79x128xi32, #tpu.memory_space<vmem>>)
      tpu.yield
    }) : () -> ()
    %mul3A_1 = arith.constant 640 : i32
    %mul3A_2 = arith.muli %arg1, %mul3A_1 : i32
    "tpu.region"() ({
      %run_scoped3A = tpu.sem_alloc : memref<!tpu.dma_semaphore, #tpu.memory_space<semaphore_mem>>
      %dma_start3A = arith.constant 0 : i32
      %dma_start3A_12 = tpu.memref_slice %arg10[%mul3A_2, %dma_start3A] : memref<10240x128xf32, #tpu.memory_space<vmem_shared>> -> memref<640x128xf32, #tpu.memory_space<vmem_shared>>
      tpu.enqueue_dma source(%arg5 : memref<640x128xf32, #tpu.memory_space<hbm>>) target(%dma_start3A_12 : memref<640x128xf32, #tpu.memory_space<vmem_shared>>) target_semaphore(%run_scoped3A : memref<!tpu.dma_semaphore, #tpu.memory_space<semaphore_mem>>)
      %dma_wait3A = arith.constant 0 : i32
      %dma_wait3A_13 = tpu.memref_slice %arg10[%mul3A_2, %dma_wait3A] : memref<10240x128xf32, #tpu.memory_space<vmem_shared>> -> memref<640x128xf32, #tpu.memory_space<vmem_shared>>
      tpu.wait_dma2 semaphore(%run_scoped3A : memref<!tpu.dma_semaphore, #tpu.memory_space<semaphore_mem>>) src(%arg5 : memref<640x128xf32, #tpu.memory_space<hbm>>) dst(%dma_wait3A_13 : memref<640x128xf32, #tpu.memory_space<vmem_shared>>)
      tpu.yield
    }) : () -> ()
    %barrier3A = arith.constant 0 : index
    tpu.barrier barrier_id(%barrier3A)
    %scan3A = arith.constant 0 : i32
    %scan3A_3 = arith.constant 79 : i32
    %scan3A_4 = arith.addi %scan3A, %scan3A_3 : i32
    %scan3A_5 = arith.constant 1 : i32
    scf.for %scan3A_12 = %scan3A to %scan3A_4 step %scan3A_5  : i32 {
      %mul3A_13 = arith.constant 1 : i32
      %mul3A_14 = arith.muli %scan3A_12, %mul3A_13 : i32
      %add3A_15 = arith.constant 0 : i32
      %add3A_16 = arith.addi %add3A_15, %mul3A_14 : i32
      %dma_start3A = arith.constant 0 : i32
      %dma_start3A_17 = tpu.memref_slice %arg7[%add3A_16, %dma_start3A] : memref<79x128xi32, #tpu.memory_space<vmem>> -> memref<1x128xi32, #tpu.memory_space<vmem>>
      %dma_start3A_18 = tpu.memref_squeeze %dma_start3A_17 : memref<1x128xi32, #tpu.memory_space<vmem>> -> memref<128xi32, #tpu.memory_space<vmem>>
      %dma_start3A_19 = arith.constant 0 : i32
      %dma_start3A_20 = arith.constant 0 : i32
      %dma_start3A_21 = tpu.memref_slice %arg2[%arg0, %dma_start3A_19, %dma_start3A_20] : memref<2x10240x128xf32, #tpu.memory_space<hbm>> -> memref<1x10240x128xf32, #tpu.memory_space<hbm>>
      %dma_start3A_22 = tpu.memref_squeeze %dma_start3A_21 : memref<1x10240x128xf32, #tpu.memory_space<hbm>> -> memref<10240x128xf32, #tpu.memory_space<hbm>>
      %dma_start3A_23 = arith.constant 0 : i32
      %dma_start3A_24 = arith.constant 0 : i32
      %dma_start3A_25 = tpu.memref_slice %dma_start3A_22[%dma_start3A_23, %dma_start3A_24] : memref<10240x128xf32, #tpu.memory_space<hbm>> -> memref<10240x128xf32, #tpu.memory_space<hbm>>
      tpu.enqueue_indirect_dma source(%dma_start3A_25 : memref<10240x128xf32, #tpu.memory_space<hbm>>) target(%arg9 : memref<128x128xf32, #tpu.memory_space<vmem>>) offsets(%dma_start3A_18 : memref<128xi32, #tpu.memory_space<vmem>>) semaphore(%arg11 : memref<!tpu.dma_semaphore, #tpu.memory_space<semaphore_mem>>)
      %dma_wait3A = arith.constant 0 : i32
      %dma_wait3A_26 = tpu.memref_slice %arg7[%add3A_16, %dma_wait3A] : memref<79x128xi32, #tpu.memory_space<vmem>> -> memref<1x128xi32, #tpu.memory_space<vmem>>
      %dma_wait3A_27 = tpu.memref_squeeze %dma_wait3A_26 : memref<1x128xi32, #tpu.memory_space<vmem>> -> memref<128xi32, #tpu.memory_space<vmem>>
      %dma_wait3A_28 = arith.constant 0 : i32
      %dma_wait3A_29 = arith.constant 0 : i32
      %dma_wait3A_30 = tpu.memref_slice %arg2[%arg0, %dma_wait3A_28, %dma_wait3A_29] : memref<2x10240x128xf32, #tpu.memory_space<hbm>> -> memref<1x10240x128xf32, #tpu.memory_space<hbm>>
      %dma_wait3A_31 = tpu.memref_squeeze %dma_wait3A_30 : memref<1x10240x128xf32, #tpu.memory_space<hbm>> -> memref<10240x128xf32, #tpu.memory_space<hbm>>
      %dma_wait3A_32 = arith.constant 0 : i32
      %dma_wait3A_33 = arith.constant 0 : i32
      %dma_wait3A_34 = tpu.memref_slice %dma_wait3A_31[%dma_wait3A_32, %dma_wait3A_33] : memref<10240x128xf32, #tpu.memory_space<hbm>> -> memref<10240x128xf32, #tpu.memory_space<hbm>>
      tpu.wait_indirect_dma semaphore(%arg11 : memref<!tpu.dma_semaphore, #tpu.memory_space<semaphore_mem>>) src(%dma_wait3A_34 : memref<10240x128xf32, #tpu.memory_space<hbm>>) dst(%arg9 : memref<128x128xf32, #tpu.memory_space<vmem>>)
      %dma_start3A_35 = arith.constant 0 : i32
      %dma_start3A_36 = tpu.memref_slice %arg8[%add3A_16, %dma_start3A_35] : memref<79x128xi32, #tpu.memory_space<vmem>> -> memref<1x128xi32, #tpu.memory_space<vmem>>
      %dma_start3A_37 = tpu.memref_squeeze %dma_start3A_36 : memref<1x128xi32, #tpu.memory_space<vmem>> -> memref<128xi32, #tpu.memory_space<vmem>>
      %dma_start3A_38 = arith.constant 0 : i32
      %dma_start3A_39 = arith.constant 0 : i32
      %dma_start3A_40 = tpu.memref_slice %arg10[%dma_start3A_38, %dma_start3A_39] : memref<10240x128xf32, #tpu.memory_space<vmem_shared>> -> memref<10240x128xf32, #tpu.memory_space<vmem_shared>>
      tpu.enqueue_indirect_dma source(%arg9 : memref<128x128xf32, #tpu.memory_space<vmem>>) target(%dma_start3A_40 : memref<10240x128xf32, #tpu.memory_space<vmem_shared>>) offsets(%dma_start3A_37 : memref<128xi32, #tpu.memory_space<vmem>>) semaphore(%arg12 : memref<!tpu.dma_semaphore, #tpu.memory_space<semaphore_mem>>) {add = true}
      %dma_wait3A_41 = arith.constant 0 : i32
      %dma_wait3A_42 = tpu.memref_slice %arg8[%add3A_16, %dma_wait3A_41] : memref<79x128xi32, #tpu.memory_space<vmem>> -> memref<1x128xi32, #tpu.memory_space<vmem>>
      %dma_wait3A_43 = tpu.memref_squeeze %dma_wait3A_42 : memref<1x128xi32, #tpu.memory_space<vmem>> -> memref<128xi32, #tpu.memory_space<vmem>>
      %dma_wait3A_44 = arith.constant 0 : i32
      %dma_wait3A_45 = arith.constant 0 : i32
      %dma_wait3A_46 = tpu.memref_slice %arg10[%dma_wait3A_44, %dma_wait3A_45] : memref<10240x128xf32, #tpu.memory_space<vmem_shared>> -> memref<10240x128xf32, #tpu.memory_space<vmem_shared>>
      tpu.wait_indirect_dma semaphore(%arg12 : memref<!tpu.dma_semaphore, #tpu.memory_space<semaphore_mem>>) src(%arg9 : memref<128x128xf32, #tpu.memory_space<vmem>>) dst(%dma_wait3A_46 : memref<10240x128xf32, #tpu.memory_space<vmem_shared>>)
    }
    %scan3A_6 = arith.constant 79 : i32
    %barrier3A_7 = arith.constant 0 : index
    tpu.barrier barrier_id(%barrier3A_7)
    %mul3A_8 = arith.constant 640 : i32
    %mul3A_9 = arith.muli %arg1, %mul3A_8 : i32
    %mul3A_10 = arith.constant 640 : i32
    %mul3A_11 = arith.muli %arg1, %mul3A_10 : i32
    "tpu.region"() ({
      %run_scoped3A = tpu.sem_alloc : memref<!tpu.dma_semaphore, #tpu.memory_space<semaphore_mem>>
      %dma_start3A = arith.constant 0 : i32
      %dma_start3A_12 = arith.constant 0 : i32
      %dma_start3A_13 = tpu.memref_slice %arg6[%arg0, %dma_start3A, %dma_start3A_12] : memref<2x10240x128xf32, #tpu.memory_space<hbm>> -> memref<1x10240x128xf32, #tpu.memory_space<hbm>>
      %dma_start3A_14 = tpu.memref_squeeze %dma_start3A_13 : memref<1x10240x128xf32, #tpu.memory_space<hbm>> -> memref<10240x128xf32, #tpu.memory_space<hbm>>
      %dma_start3A_15 = arith.constant 0 : i32
      %dma_start3A_16 = tpu.memref_slice %dma_start3A_14[%mul3A_11, %dma_start3A_15] : memref<10240x128xf32, #tpu.memory_space<hbm>> -> memref<640x128xf32, #tpu.memory_space<hbm>>
      %dma_start3A_17 = arith.constant 0 : i32
      %dma_start3A_18 = tpu.memref_slice %arg10[%mul3A_9, %dma_start3A_17] : memref<10240x128xf32, #tpu.memory_space<vmem_shared>> -> memref<640x128xf32, #tpu.memory_space<vmem_shared>>
      tpu.enqueue_dma source(%dma_start3A_18 : memref<640x128xf32, #tpu.memory_space<vmem_shared>>) target(%dma_start3A_16 : memref<640x128xf32, #tpu.memory_space<hbm>>) target_semaphore(%run_scoped3A : memref<!tpu.dma_semaphore, #tpu.memory_space<semaphore_mem>>)
      %dma_wait3A = arith.constant 0 : i32
      %dma_wait3A_19 = arith.constant 0 : i32
      %dma_wait3A_20 = tpu.memref_slice %arg6[%arg0, %dma_wait3A, %dma_wait3A_19] : memref<2x10240x128xf32, #tpu.memory_space<hbm>> -> memref<1x10240x128xf32, #tpu.memory_space<hbm>>
      %dma_wait3A_21 = tpu.memref_squeeze %dma_wait3A_20 : memref<1x10240x128xf32, #tpu.memory_space<hbm>> -> memref<10240x128xf32, #tpu.memory_space<hbm>>
      %dma_wait3A_22 = arith.constant 0 : i32
      %dma_wait3A_23 = tpu.memref_slice %dma_wait3A_21[%mul3A_11, %dma_wait3A_22] : memref<10240x128xf32, #tpu.memory_space<hbm>> -> memref<640x128xf32, #tpu.memory_space<hbm>>
      %dma_wait3A_24 = arith.constant 0 : i32
      %dma_wait3A_25 = tpu.memref_slice %arg10[%mul3A_9, %dma_wait3A_24] : memref<10240x128xf32, #tpu.memory_space<vmem_shared>> -> memref<640x128xf32, #tpu.memory_space<vmem_shared>>
      tpu.wait_dma2 semaphore(%run_scoped3A : memref<!tpu.dma_semaphore, #tpu.memory_space<semaphore_mem>>) src(%dma_wait3A_25 : memref<640x128xf32, #tpu.memory_space<vmem_shared>>) dst(%dma_wait3A_23 : memref<640x128xf32, #tpu.memory_space<hbm>>)
      tpu.yield
    }) : () -> ()
    return
  }
}

module attributes {stable_mosaic.version = 14 : i64} {
  func.func @body(%arg0: i32, %arg1: memref<2x256x16xf32, #tpu.memory_space<vmem>>, %arg2: memref<256x128xf32, #tpu.memory_space<vmem>>, %arg3: memref<128x128xf32, #tpu.memory_space<vmem>>, %arg4: memref<2x256x128xf32, #tpu.memory_space<vmem>>, %arg5: memref<256x128xf32, #tpu.memory_space<vmem>>) attributes {dimension_semantics = [#tpu.dimension_semantics<arbitrary>], iteration_bounds = array<i64: 40>, scalar_prefetch = 0 : i64, scratch_operands = 0 : i64, tpu.core_type = #tpu.core_type<tc>, window_params = [{transform_indices = @transform_0, window_bounds = array<i64: 2, 256, 16>}, {transform_indices = @transform_1, window_bounds = array<i64: 256, 128>}, {pipeline_mode = #tpu.pipeline_mode<synchronous>, transform_indices = @transform_2, window_bounds = array<i64: 128, 128>}, {transform_indices = @transform_3, window_bounds = array<i64: 2, 256, 128>}, {transform_indices = @transform_4, window_bounds = array<i64: 256, 128>}]} {
    %get3A = arith.constant 0 : index
    %get3A_0 = arith.constant 0 : index
    %get3A_1 = arith.constant 0 : index
    %get3A_2 = vector.load %arg1[%get3A, %get3A_0, %get3A_1] : memref<2x256x16xf32, #tpu.memory_space<vmem>>, vector<2x256x16xf32>
    %slice3A = vector.extract_strided_slice %get3A_2 {offsets = [0, 0, 0], sizes = [1, 256, 1], strides = [1, 1, 1]} : vector<2x256x16xf32> to vector<1x256x1xf32>
    %squeeze3A = vector.shape_cast %slice3A : vector<1x256x1xf32> to vector<256x1xf32>
    %slice3A_3 = vector.extract_strided_slice %get3A_2 {offsets = [1, 0, 0], sizes = [1, 256, 1], strides = [1, 1, 1]} : vector<2x256x16xf32> to vector<1x256x1xf32>
    %squeeze3A_4 = vector.shape_cast %slice3A_3 : vector<1x256x1xf32> to vector<256x1xf32>
    %add3A = arith.addf %squeeze3A, %squeeze3A_4 : vector<256x1xf32>
    %add3A_5 = arith.constant 1.000000e+00 : f32
    %add3A_6 = vector.broadcast %add3A_5 : f32 to vector<256x1xf32>
    %add3A_7 = arith.addf %add3A, %add3A_6 : vector<256x1xf32>
    %rsqrt3A = math.rsqrt %add3A_7 : vector<256x1xf32>
    %get3A_8 = arith.constant 0 : index
    %get3A_9 = arith.constant 0 : index
    %get3A_10 = vector.load %arg2[%get3A_8, %get3A_9] : memref<256x128xf32, #tpu.memory_space<vmem>>, vector<256x128xf32>
    %get3A_11 = arith.constant 0 : index
    %get3A_12 = arith.constant 0 : index
    %get3A_13 = vector.load %arg3[%get3A_11, %get3A_12] : memref<128x128xf32, #tpu.memory_space<vmem>>, vector<128x128xf32>
    %dot_general3A = arith.constant dense<0.000000e+00> : vector<256x128xf32>
    %dot_general3A_14 = tpu.matmul %get3A_10, %get3A_13, %dot_general3A {dimension_numbers = #tpu.dot_dimension_numbers<[1], [0], [0], [1], [0, 0, 1, 1], [], []>, transpose_lhs_hint = false} : vector<256x128xf32>, vector<128x128xf32>, vector<256x128xf32> -> vector<256x128xf32>
    %mul3A = vector.broadcast %rsqrt3A : vector<256x1xf32> to vector<256x128xf32>
    %mul3A_15 = arith.mulf %mul3A, %dot_general3A_14 : vector<256x128xf32>
    %swap3A = arith.constant 0 : index
    %swap3A_16 = arith.constant 0 : index
    %swap3A_17 = arith.constant 0 : index
    %swap3A_18 = vector.load %arg4[%swap3A, %swap3A_16, %swap3A_17] : memref<2x256x128xf32, #tpu.memory_space<vmem>>, vector<1x256x128xf32>
    %swap3A_19 = vector.shape_cast %swap3A_18 : vector<1x256x128xf32> to vector<256x128xf32>
    %swap3A_20 = vector.shape_cast %mul3A_15 : vector<256x128xf32> to vector<1x256x128xf32>
    tpu.vector_store %arg4[%swap3A, %swap3A_16, %swap3A_17], %swap3A_20 {strides = array<i32>} : memref<2x256x128xf32, #tpu.memory_space<vmem>>, vector<1x256x128xf32>,
    %swap3A_21 = arith.constant 1 : index
    %swap3A_22 = arith.constant 0 : index
    %swap3A_23 = arith.constant 0 : index
    %swap3A_24 = vector.load %arg4[%swap3A_21, %swap3A_22, %swap3A_23] : memref<2x256x128xf32, #tpu.memory_space<vmem>>, vector<1x256x128xf32>
    %swap3A_25 = vector.shape_cast %swap3A_24 : vector<1x256x128xf32> to vector<256x128xf32>
    %swap3A_26 = vector.shape_cast %mul3A_15 : vector<256x128xf32> to vector<1x256x128xf32>
    tpu.vector_store %arg4[%swap3A_21, %swap3A_22, %swap3A_23], %swap3A_26 {strides = array<i32>} : memref<2x256x128xf32, #tpu.memory_space<vmem>>, vector<1x256x128xf32>,
    %broadcast_in_dim3A = vector.shape_cast %rsqrt3A : vector<256x1xf32> to vector<256x1xf32>
    %broadcast_in_dim3A_27 = vector.broadcast %broadcast_in_dim3A : vector<256x1xf32> to vector<256x128xf32>
    %swap3A_28 = arith.constant 0 : index
    %swap3A_29 = arith.constant 0 : index
    %swap3A_30 = vector.load %arg5[%swap3A_28, %swap3A_29] : memref<256x128xf32, #tpu.memory_space<vmem>>, vector<256x128xf32>
    tpu.vector_store %arg5[%swap3A_28, %swap3A_29], %broadcast_in_dim3A_27 {strides = array<i32>} : memref<256x128xf32, #tpu.memory_space<vmem>>, vector<256x128xf32>,
    return
  }
  func.func @transform_0(%arg0: i32) -> (i32, i32, i32) {
    %c0_i32 = arith.constant 0 : i32
    %c0_i32_0 = arith.constant 0 : i32
    %c0_i32_1 = arith.constant 0 : i32
    return %c0_i32, %arg0, %c0_i32_0 : i32, i32, i32
  }
  func.func @transform_1(%arg0: i32) -> (i32, i32) {
    %c0_i32 = arith.constant 0 : i32
    %c0_i32_0 = arith.constant 0 : i32
    return %arg0, %c0_i32 : i32, i32
  }
  func.func @transform_2(%arg0: i32) -> (i32, i32) {
    %c0_i32 = arith.constant 0 : i32
    %c0_i32_0 = arith.constant 0 : i32
    %c0_i32_1 = arith.constant 0 : i32
    return %c0_i32, %c0_i32_0 : i32, i32
  }
  func.func @transform_3(%arg0: i32) -> (i32, i32, i32) {
    %c0_i32 = arith.constant 0 : i32
    %c0_i32_0 = arith.constant 0 : i32
    %c0_i32_1 = arith.constant 0 : i32
    return %c0_i32, %arg0, %c0_i32_0 : i32, i32, i32
  }
  func.func @transform_4(%arg0: i32) -> (i32, i32) {
    %c0_i32 = arith.constant 0 : i32
    %c0_i32_0 = arith.constant 0 : i32
    return %arg0, %c0_i32 : i32, i32
  }
}

module attributes {stable_mosaic.version = 14 : i64} {
  func.func @body(%arg0: i32, %arg1: memref<2x256x128xf32, #tpu.memory_space<vmem>>, %arg2: memref<2x256x128xf32, #tpu.memory_space<vmem>>, %arg3: memref<256x128xf32, #tpu.memory_space<vmem>>, %arg4: memref<1x128xf32, #tpu.memory_space<vmem>>, %arg5: memref<128x128xf32, #tpu.memory_space<vmem>>, %arg6: memref<2x256x128xf32, #tpu.memory_space<vmem>>) attributes {dimension_semantics = [#tpu.dimension_semantics<arbitrary>], iteration_bounds = array<i64: 40>, scalar_prefetch = 0 : i64, scratch_operands = 0 : i64, tpu.core_type = #tpu.core_type<tc>, window_params = [{transform_indices = @transform_0, window_bounds = array<i64: 2, 256, 128>}, {transform_indices = @transform_1, window_bounds = array<i64: 2, 256, 128>}, {transform_indices = @transform_2, window_bounds = array<i64: 256, 128>}, {pipeline_mode = #tpu.pipeline_mode<synchronous>, transform_indices = @transform_3, window_bounds = array<i64: 1, 128>}, {pipeline_mode = #tpu.pipeline_mode<synchronous>, transform_indices = @transform_4, window_bounds = array<i64: 128, 128>}, {transform_indices = @transform_5, window_bounds = array<i64: 2, 256, 128>}]} {
    %get3A = arith.constant 0 : index
    %get3A_0 = arith.constant 0 : index
    %get3A_1 = arith.constant 0 : index
    %get3A_2 = vector.load %arg1[%get3A, %get3A_0, %get3A_1] : memref<2x256x128xf32, #tpu.memory_space<vmem>>, vector<1x256x128xf32>
    %get3A_3 = vector.shape_cast %get3A_2 : vector<1x256x128xf32> to vector<256x128xf32>
    %get3A_4 = arith.constant 1 : index
    %get3A_5 = arith.constant 0 : index
    %get3A_6 = arith.constant 0 : index
    %get3A_7 = vector.load %arg1[%get3A_4, %get3A_5, %get3A_6] : memref<2x256x128xf32, #tpu.memory_space<vmem>>, vector<1x256x128xf32>
    %get3A_8 = vector.shape_cast %get3A_7 : vector<1x256x128xf32> to vector<256x128xf32>
    %add3A = arith.addf %get3A_3, %get3A_8 : vector<256x128xf32>
    %get3A_9 = arith.constant 0 : index
    %get3A_10 = arith.constant 0 : index
    %get3A_11 = arith.constant 0 : index
    %get3A_12 = vector.load %arg2[%get3A_9, %get3A_10, %get3A_11] : memref<2x256x128xf32, #tpu.memory_space<vmem>>, vector<1x256x128xf32>
    %get3A_13 = vector.shape_cast %get3A_12 : vector<1x256x128xf32> to vector<256x128xf32>
    %add3A_14 = arith.addf %add3A, %get3A_13 : vector<256x128xf32>
    %get3A_15 = arith.constant 0 : index
    %get3A_16 = arith.constant 0 : index
    %get3A_17 = vector.load %arg3[%get3A_15, %get3A_16] : memref<256x128xf32, #tpu.memory_space<vmem>>, vector<256x128xf32>
    %mul3A = arith.mulf %get3A_17, %add3A_14 : vector<256x128xf32>
    %get3A_18 = arith.constant 0 : index
    %get3A_19 = arith.constant 0 : index
    %get3A_20 = vector.load %arg4[%get3A_18, %get3A_19] : memref<1x128xf32, #tpu.memory_space<vmem>>, vector<1x128xf32>
    %add3A_21 = vector.broadcast %get3A_20 : vector<1x128xf32> to vector<256x128xf32>
    %add3A_22 = arith.addf %mul3A, %add3A_21 : vector<256x128xf32>
    %max3A = arith.constant 0.000000e+00 : f32
    %max3A_23 = vector.broadcast %max3A : f32 to vector<256x128xf32>
    %max3A_24 = arith.maximumf %add3A_22, %max3A_23 : vector<256x128xf32>
    %get3A_25 = arith.constant 0 : index
    %get3A_26 = arith.constant 0 : index
    %get3A_27 = vector.load %arg5[%get3A_25, %get3A_26] : memref<128x128xf32, #tpu.memory_space<vmem>>, vector<128x128xf32>
    %dot_general3A = arith.constant dense<0.000000e+00> : vector<256x128xf32>
    %dot_general3A_28 = tpu.matmul %max3A_24, %get3A_27, %dot_general3A {dimension_numbers = #tpu.dot_dimension_numbers<[1], [0], [0], [1], [0, 0, 1, 1], [], []>, transpose_lhs_hint = false} : vector<256x128xf32>, vector<128x128xf32>, vector<256x128xf32> -> vector<256x128xf32>
    %mul3A_29 = arith.mulf %get3A_17, %dot_general3A_28 : vector<256x128xf32>
    %swap3A = arith.constant 0 : index
    %swap3A_30 = arith.constant 0 : index
    %swap3A_31 = arith.constant 0 : index
    %swap3A_32 = vector.load %arg6[%swap3A, %swap3A_30, %swap3A_31] : memref<2x256x128xf32, #tpu.memory_space<vmem>>, vector<1x256x128xf32>
    %swap3A_33 = vector.shape_cast %swap3A_32 : vector<1x256x128xf32> to vector<256x128xf32>
    %swap3A_34 = vector.shape_cast %mul3A_29 : vector<256x128xf32> to vector<1x256x128xf32>
    tpu.vector_store %arg6[%swap3A, %swap3A_30, %swap3A_31], %swap3A_34 {strides = array<i32>} : memref<2x256x128xf32, #tpu.memory_space<vmem>>, vector<1x256x128xf32>,
    %swap3A_35 = arith.constant 1 : index
    %swap3A_36 = arith.constant 0 : index
    %swap3A_37 = arith.constant 0 : index
    %swap3A_38 = vector.load %arg6[%swap3A_35, %swap3A_36, %swap3A_37] : memref<2x256x128xf32, #tpu.memory_space<vmem>>, vector<1x256x128xf32>
    %swap3A_39 = vector.shape_cast %swap3A_38 : vector<1x256x128xf32> to vector<256x128xf32>
    %swap3A_40 = vector.shape_cast %mul3A_29 : vector<256x128xf32> to vector<1x256x128xf32>
    tpu.vector_store %arg6[%swap3A_35, %swap3A_36, %swap3A_37], %swap3A_40 {strides = array<i32>} : memref<2x256x128xf32, #tpu.memory_space<vmem>>, vector<1x256x128xf32>,
    return
  }
  func.func @transform_0(%arg0: i32) -> (i32, i32, i32) {
    %c0_i32 = arith.constant 0 : i32
    %c0_i32_0 = arith.constant 0 : i32
    %c0_i32_1 = arith.constant 0 : i32
    return %c0_i32, %arg0, %c0_i32_0 : i32, i32, i32
  }
  func.func @transform_1(%arg0: i32) -> (i32, i32, i32) {
    %c0_i32 = arith.constant 0 : i32
    %c0_i32_0 = arith.constant 0 : i32
    %c0_i32_1 = arith.constant 0 : i32
    return %c0_i32, %arg0, %c0_i32_0 : i32, i32, i32
  }
  func.func @transform_2(%arg0: i32) -> (i32, i32) {
    %c0_i32 = arith.constant 0 : i32
    %c0_i32_0 = arith.constant 0 : i32
    return %arg0, %c0_i32 : i32, i32
  }
  func.func @transform_3(%arg0: i32) -> (i32, i32) {
    %c0_i32 = arith.constant 0 : i32
    %c0_i32_0 = arith.constant 0 : i32
    %c0_i32_1 = arith.constant 0 : i32
    return %c0_i32, %c0_i32_0 : i32, i32
  }
  func.func @transform_4(%arg0: i32) -> (i32, i32) {
    %c0_i32 = arith.constant 0 : i32
    %c0_i32_0 = arith.constant 0 : i32
    %c0_i32_1 = arith.constant 0 : i32
    return %c0_i32, %c0_i32_0 : i32, i32
  }
  func.func @transform_5(%arg0: i32) -> (i32, i32, i32) {
    %c0_i32 = arith.constant 0 : i32
    %c0_i32_0 = arith.constant 0 : i32
    %c0_i32_1 = arith.constant 0 : i32
    return %c0_i32, %arg0, %c0_i32_0 : i32, i32, i32
  }
}

module attributes {stable_mosaic.version = 14 : i64} {
  func.func @body(%arg0: i32, %arg1: memref<2x256x128xf32, #tpu.memory_space<vmem>>, %arg2: memref<2x256x128xf32, #tpu.memory_space<vmem>>, %arg3: memref<256x128xf32, #tpu.memory_space<vmem>>, %arg4: memref<1x128xf32, #tpu.memory_space<vmem>>, %arg5: memref<256x128xf32, #tpu.memory_space<vmem>>) attributes {dimension_semantics = [#tpu.dimension_semantics<arbitrary>], iteration_bounds = array<i64: 40>, scalar_prefetch = 0 : i64, scratch_operands = 0 : i64, tpu.core_type = #tpu.core_type<tc>, window_params = [{transform_indices = @transform_0, window_bounds = array<i64: 2, 256, 128>}, {transform_indices = @transform_1, window_bounds = array<i64: 2, 256, 128>}, {transform_indices = @transform_2, window_bounds = array<i64: 256, 128>}, {pipeline_mode = #tpu.pipeline_mode<synchronous>, transform_indices = @transform_3, window_bounds = array<i64: 1, 128>}, {transform_indices = @transform_4, window_bounds = array<i64: 256, 128>}]} {
    %get3A = arith.constant 0 : index
    %get3A_0 = arith.constant 0 : index
    %get3A_1 = arith.constant 0 : index
    %get3A_2 = vector.load %arg1[%get3A, %get3A_0, %get3A_1] : memref<2x256x128xf32, #tpu.memory_space<vmem>>, vector<1x256x128xf32>
    %get3A_3 = vector.shape_cast %get3A_2 : vector<1x256x128xf32> to vector<256x128xf32>
    %get3A_4 = arith.constant 1 : index
    %get3A_5 = arith.constant 0 : index
    %get3A_6 = arith.constant 0 : index
    %get3A_7 = vector.load %arg1[%get3A_4, %get3A_5, %get3A_6] : memref<2x256x128xf32, #tpu.memory_space<vmem>>, vector<1x256x128xf32>
    %get3A_8 = vector.shape_cast %get3A_7 : vector<1x256x128xf32> to vector<256x128xf32>
    %add3A = arith.addf %get3A_3, %get3A_8 : vector<256x128xf32>
    %get3A_9 = arith.constant 0 : index
    %get3A_10 = arith.constant 0 : index
    %get3A_11 = arith.constant 0 : index
    %get3A_12 = vector.load %arg2[%get3A_9, %get3A_10, %get3A_11] : memref<2x256x128xf32, #tpu.memory_space<vmem>>, vector<1x256x128xf32>
    %get3A_13 = vector.shape_cast %get3A_12 : vector<1x256x128xf32> to vector<256x128xf32>
    %add3A_14 = arith.addf %add3A, %get3A_13 : vector<256x128xf32>
    %get3A_15 = arith.constant 0 : index
    %get3A_16 = arith.constant 0 : index
    %get3A_17 = vector.load %arg3[%get3A_15, %get3A_16] : memref<256x128xf32, #tpu.memory_space<vmem>>, vector<256x128xf32>
    %mul3A = arith.mulf %get3A_17, %add3A_14 : vector<256x128xf32>
    %get3A_18 = arith.constant 0 : index
    %get3A_19 = arith.constant 0 : index
    %get3A_20 = vector.load %arg4[%get3A_18, %get3A_19] : memref<1x128xf32, #tpu.memory_space<vmem>>, vector<1x128xf32>
    %add3A_21 = vector.broadcast %get3A_20 : vector<1x128xf32> to vector<256x128xf32>
    %add3A_22 = arith.addf %mul3A, %add3A_21 : vector<256x128xf32>
    %max3A = arith.constant 0.000000e+00 : f32
    %max3A_23 = vector.broadcast %max3A : f32 to vector<256x128xf32>
    %max3A_24 = arith.maximumf %add3A_22, %max3A_23 : vector<256x128xf32>
    %swap3A = arith.constant 0 : index
    %swap3A_25 = arith.constant 0 : index
    %swap3A_26 = vector.load %arg5[%swap3A, %swap3A_25] : memref<256x128xf32, #tpu.memory_space<vmem>>, vector<256x128xf32>
    tpu.vector_store %arg5[%swap3A, %swap3A_25], %max3A_24 {strides = array<i32>} : memref<256x128xf32, #tpu.memory_space<vmem>>, vector<256x128xf32>,
    return
  }
  func.func @transform_0(%arg0: i32) -> (i32, i32, i32) {
    %c0_i32 = arith.constant 0 : i32
    %c0_i32_0 = arith.constant 0 : i32
    %c0_i32_1 = arith.constant 0 : i32
    return %c0_i32, %arg0, %c0_i32_0 : i32, i32, i32
  }
  func.func @transform_1(%arg0: i32) -> (i32, i32, i32) {
    %c0_i32 = arith.constant 0 : i32
    %c0_i32_0 = arith.constant 0 : i32
    %c0_i32_1 = arith.constant 0 : i32
    return %c0_i32, %arg0, %c0_i32_0 : i32, i32, i32
  }
  func.func @transform_2(%arg0: i32) -> (i32, i32) {
    %c0_i32 = arith.constant 0 : i32
    %c0_i32_0 = arith.constant 0 : i32
    return %arg0, %c0_i32 : i32, i32
  }
  func.func @transform_3(%arg0: i32) -> (i32, i32) {
    %c0_i32 = arith.constant 0 : i32
    %c0_i32_0 = arith.constant 0 : i32
    %c0_i32_1 = arith.constant 0 : i32
    return %c0_i32, %c0_i32_0 : i32, i32
  }
  func.func @transform_4(%arg0: i32) -> (i32, i32) {
    %c0_i32 = arith.constant 0 : i32
    %c0_i32_0 = arith.constant 0 : i32
    return %arg0, %c0_i32 : i32, i32
  }
}

</mosaic_0001>

<sc_bundles>
// kernel: kernel.11.cloned.1.call-start
scs
__scs_entry_jumppad:
0x0: {  	(pc) =	sbr.rel $0x88, $3  }
0x1: {  	(tag) =	ssettag $0x0;
	lr =	simm.s32 $0x1  }
0x2: {  	[smem:$0x3F9B] =	sst lr;
	_ =	strace $0xD0000000  }
0x3: {  	_ = 	snop  }
0x4: {  	_ = 	snop  }
0x5: {  	_ = 	snop  }
0x6: {  	_ = 	snop  }
0x7: {  	_ = 	snop  }
__scs_overlays_trampoline_lowered:
0x8: {  	[smem:$0x3FAA] =	sst s0  }
0x9: {  	[smem:$0x3FAB] =	sst s1  }
0xa: {  	[smem:$0x3FAC] =	sst s2  }
0xb: {  	[smem:$0x3FAD] =	sst s3  }
0xc: {  	[smem:$0x3FAE] =	sst s4  }
0xd: {  	[smem:$0x3FAF] =	sst s5  }
0xe: {  	[smem:$0x3FB0] =	sst s6  }
0xf: {  	[smem:$0x3FB1] =	sst s7  }
0x10: {  	[smem:$0x3FB2] =	sst s8  }
0x11: {  	[smem:$0x3FB3] =	sst s9;
	s0 =	simm.s32 @!p0 $0x0  }
0x12: {  	s1 =	sld [smem:$0x3F99];
	s0 =	simm.s32 @p0 $0x1  }
0x13: {  	[smem:$0x3FB4] =	sst s0;
	s0 =	simm.s32 @!p1 $0x0  }
0x14: {  	s2 =	sld [smem:$0x3F98];
	s0 =	simm.s32 @p1 $0x1  }
0x15: {  	[smem:$0x3FB5] =	sst s0;
	s0 =	simm.s32 @!p2 $0x0  }
0x16: {  	s3 =	sld [smem:$0x3FDB];
	s0 =	simm.s32 @p2 $0x1  }
0x17: {  	s4 =	simm.s32 $0x1BF5;
	[smem:$0x3FB7] =	sst s0  }
0x18: {  	s0 =	sld [smem:$0x3F9A];
	_ =	swait.ge [sflag:s4], $0x0  }
0x19: {  	s7 =	sld [smem:$0x3F9B]  }
0x1a: {  	s8 =	sadd.s32 $0xFFFFE003, lr  }
0x1b: {  	s9 =	sadd.s32 $0xFFFFFEF7, lr;
	s5 =	simm.s32 $0xFFFFFFFF;
	p2 =	slt.u32 s8, $0xFFFFF086  }
0x1c: {  	p1 =	slt.u32 s9, $0xF7A;
	s5 =	simm.s32 @!p2 $0x0  }
0x1d: {  	s5 =	simm.s32 @p1 $0x1;
	p0 =	seq.s32 s7, s2  }
0x1e: {  	s7 =	smul.u32 @!p0 $0xF7A, s2;
	p2 =	seq.s32 @!p0 s5, $0x0  }
0x1f: {  	s9 =	smul.u32 $0xF7A, s1;
	s8 =	simm.s32 @!p0 $0x1BF5;
	p2 =	por !p2, p0  }
0x20: {  	[sflag:s8] =	ssyncset.s32 @!p0 $0xFFFFF086;
	s6 =	sadd.s32 @!p0 s3, s7;
	s7 =	simm.s32 @!p0 $0x108  }
0x21: {  	s3 =	sadd.s32 s3, s9;
	s6 =	sadd.s32 @!p0 $0x88, s6;
	s7 =	simm.s32 @p2 $0x1082  }
0x22: {  	[simem:s7], [sflag:s8] =	dma.local @!p0 [hbm:s6], $0xF7A  }
0x23: {  	s9 =	sor.u32 $0xD0000000, s2;
	s6 =	simm.s32 $0x108;
	_ =	swait.ge @!p0 [sflag:s8], $0x0  }
0x24: {  	s3 =	sadd.s32 $0x88, s3;
	s6 =	simm.s32 @!p1 $0x1082;
	[sflag:s4] =	ssyncset.s32 $0xFFFFF086  }
0x25: {  	[simem:s6], [sflag:s4] =	dma.local [hbm:s3], $0xF7A  }
0x26: {  	[smem:$0x3F9B] =	sst s1;
	(tag) =	ssettag s2;
	_ =	strace s9  }
0x27: {  	s1 =	sld [smem:$0x3FAB]  }
0x28: {  	s2 =	sld [smem:$0x3FAC]  }
0x29: {  	s4 =	sld [smem:$0x3FAE]  }
0x2a: {  	p0 =	seq.s32 s5, $0x0;
	s5 =	sld [smem:$0x3FAF]  }
0x2b: {  	s6 =	sld [smem:$0x3FB0]  }
0x2c: {  	s7 =	sld [smem:$0x3FB1]  }
0x2d: {  	s3 =	simm.s32 $0x108;
	s8 =	sld [smem:$0x3FB2]  }
0x2e: {  	s3 =	simm.s32 @!p0 $0x1082;
	s9 =	sld [smem:$0x3FB3]  }
0x2f: {  	lr =	sadd.s32 s0, s3;
	s0 =	sld [smem:$0x3FAA]  }
0x30: {  	s3 =	sld [smem:$0x3FAD]  }
0x31: {  	[smem:$0x3FB6] =	sst s10  }
0x32: {  	s10 =	sld [smem:$0x3FB4];
	_ =	sdelay $0x3  }
0x33: {  	p0 =	seq.s32 s10, $0x1;
	s10 =	sld [smem:$0x3FB6];
	_ =	sdelay $0x3  }
0x34: {  	[smem:$0x3FB6] =	sst s10  }
0x35: {  	s10 =	sld [smem:$0x3FB5];
	_ =	sdelay $0x3  }
0x36: {  	p1 =	seq.s32 s10, $0x1;
	s10 =	sld [smem:$0x3FB6];
	_ =	sdelay $0x3  }
0x37: {  	[smem:$0x3FB6] =	sst s10  }
0x38: {  	s10 =	sld [smem:$0x3FB7]  }
0x39: {  	_ = 	snop;
	(pc) =	sbr.ind lr, $3  }
0x3a: {  	_ = 	snop  }
0x3b: {  	_ = 	snop  }
0x3c: {  	p2 =	seq.s32 s10, $0x1;
	s10 =	sld [smem:$0x3FB6]  }
0x3d: {  	_ =	shalt  }
0x3e: {  	_ =	shalt  }
0x3f: {  	_ =	shalt  }
0x40: {  	_ =	shalt  }
0x41: {  	_ =	shalt  }
0x42: {  	_ =	shalt  }
0x43: {  	_ =	shalt  }
0x44: {  	_ =	shalt  }
0x45: {  	_ =	shalt  }
0x46: {  	_ =	shalt  }
0x47: {  	_ =	shalt  }
0x48: {  	_ =	shalt  }
0x49: {  	_ =	shalt  }
0x4a: {  	_ =	shalt  }
0x4b: {  	_ =	shalt  }
0x4c: {  	_ =	shalt  }
0x4d: {  	_ =	shalt  }
0x4e: {  	_ =	shalt  }
0x4f: {  	_ =	shalt  }
0x50: {  	_ =	shalt  }
0x51: {  	_ =	shalt  }
0x52: {  	_ =	shalt  }
0x53: {  	_ =	shalt  }
0x54: {  	_ =	shalt  }
0x55: {  	_ =	shalt  }
0x56: {  	_ =	shalt  }
0x57: {  	_ =	shalt  }
0x58: {  	_ =	shalt  }
0x59: {  	_ =	shalt  }
0x5a: {  	_ =	shalt  }
0x5b: {  	_ =	shalt  }
0x5c: {  	_ =	shalt  }
0x5d: {  	_ =	shalt  }
0x5e: {  	_ =	shalt  }
0x5f: {  	_ =	shalt  }
0x60: {  	_ =	shalt  }
0x61: {  	_ =	shalt  }
0x62: {  	_ =	shalt  }
0x63: {  	_ =	shalt  }
0x64: {  	_ =	shalt  }
0x65: {  	_ =	shalt  }
0x66: {  	_ =	shalt  }
0x67: {  	_ =	shalt  }
0x68: {  	_ =	shalt  }
0x69: {  	_ =	shalt  }
0x6a: {  	_ =	shalt  }
0x6b: {  	_ =	shalt  }
0x6c: {  	_ =	shalt  }
0x6d: {  	_ =	shalt  }
0x6e: {  	_ =	shalt  }
0x6f: {  	_ =	shalt  }
0x70: {  	_ =	shalt  }
0x71: {  	_ =	shalt  }
0x72: {  	_ =	shalt  }
0x73: {  	_ =	shalt  }
0x74: {  	_ =	shalt  }
0x75: {  	_ =	shalt  }
0x76: {  	_ =	shalt  }
0x77: {  	_ =	shalt  }
0x78: {  	_ =	shalt  }
0x79: {  	_ =	shalt  }
0x7a: {  	_ =	shalt  }
0x7b: {  	_ =	shalt  }
0x7c: {  	_ =	shalt  }
0x7d: {  	_ =	shalt  }
0x7e: {  	_ =	shalt  }
0x7f: {  	_ =	shalt  }
0x80: {  	_ =	shalt  }
0x81: {  	_ =	shalt  }
0x82: {  	_ =	shalt  }
0x83: {  	_ =	shalt  }
0x84: {  	_ =	shalt  }
0x85: {  	_ =	shalt  }
0x86: {  	_ =	shalt  }
0x87: {  	_ =	shalt  }
.Lfunc_end0:
.L_simem_size_0:
called_computation.1_lowered:
.L_overlay_start_0:
0x88: {  	s2 =	sld [smem:$0x3FD9]  }
0x89: {  	s3 =	sld [smem:$0x3FFE];
	_ =	sdelay $0x1  }
0x8a: {  	s1 =	srdreg.scid  }
0x8b: {  	s0 =	sand.u32 $0x1, s1  }
0x8c: {  	s17 =	sshll.u32 s0, $0xA;
	s2 =	sadd.s32 s3, s2  }
0x8d: {  	s2 =	sadd.s32 s2, s17  }
0x8e: {  	[smem:$0x3FC2] =	sst s2  }
0x8f: {  	_ = 	snop  }
0x90: {  	s2 =	sld [smem:$0x3FD0];
	(tm) =	ssettm $0x1  }
0x91: {  	s18 =	sld [smem:$0x3FFB];
	_ =	sdelay $0x3  }
0x92: {  	_ =	strace s18  }
0x93: {  	s3 =	sld [smem:$0x3FFC];
	_ =	sdelay $0x3  }
0x94: {  	_ =	strace s3  }
0x95: {  	s3 =	sld [smem:$0x3FFD];
	_ =	sdelay $0x3  }
0x96: {  	_ =	strace s3  }
0x97: {  	_ =	strace $0x8FFFFFFF  }
0x98: {  	s19 =	sld [smem:$0x3FDB];
	_ =	sdelay $0x1  }
0x99: {  	s4 =	simm.s32 $_scs_section_size  }
0x9a: {  	s5 =	simm.s32 $_size__tile_overlayer_lowered;
	s6 =	simm.s32 $_tile_overlayer_lowered  }
0x9b: {  	s22 =	simm.s32 $0x1BFF;
	s21 =	sshll.u32 s6, $0x1;
	s3 =	sadd.s32 s4, s19  }
0x9c: {  	s7 =	simm.s32 $0x0;
	s20 =	sshll.u32 s5, $0x1;
	s5 =	sadd.s32 s21, s3  }
0x9d: {  	[timem:s7], [sflag:s22] =	dma.local [hbm:s5], s20  }
0x9e: {  	_ =	swait.ge [sflag:s22], s20  }
0x9f: {  	s4 =	ssub.s32 $0x0, s20;
	[sflag:s22] =	ssyncset.done $0x0  }
0xa0: {  	[sflag:s22] =	ssyncadd.s32 s4;
	_ =	sdelay $0x1  }
0xa1: {  	s23 =	simm.s32 $0x1B8B  }
0xa2: {  	_ =	swait.ge [sflag:s23], $0x1  }
0xa3: {  	[sflag:s23] =	ssyncset.done $0x0  }
0xa4: {  	s25 =	simm.s32 $0x1B8E;
	s24 =	sld [smem:$0x3FFE];
	[sflag:s23] =	ssyncadd.s32 $0xFFFFFFFF  }
0xa5: {  	s26 =	simm.s32 $execute0_lowered;
	[smem:$0x3FD2] =	sst s25  }
0xa6: {  	s5 =	sshll.u32 s26, $0x1;
	_ =	strace $0x80000049;
	[dreg:$0x1] =	wrdreg $0xFFFFFFFF  }
0xa7: {  	s28 =	simm.s32 $_size_execute0_lowered;
	s3 =	sadd.s32 s3, s5;
	[dreg:$0x0] =	wrdreg $0x0  }
0xa8: {  	s5 =	sshll.u32 s28, $0x1;
	[dreg:$0x2] =	wrdreg s3  }
0xa9: {  	[dreg:$0x3] =	wrdreg s5  }
0xaa: {  	[dreg:$0x4] =	wrdreg $0xC0  }
0xab: {  	_ =	task [dreg:s7], $0x5FFFF  }
0xac: {  	[dreg:$0x1] =	wrdreg $0xFFFFFFFF  }
0xad: {  	[dreg:$0x0] =	wrdreg $0x60  }
0xae: {  	[dreg:$0x2] =	wrdreg s24  }
0xaf: {  	[dreg:$0x3] =	wrdreg s2  }
0xb0: {  	[dreg:$0x4] =	wrdreg $0x8F000  }
0xb1: {  	[dreg:$0x5] =	wrdreg $0x9  }
0xb2: {  	_ =	task.clear_ibuf [dreg:s7], $0x6FFFF;
	_ =	strace $0x90000049  }
0xb3: {  	s29 =	simm.s32 $0x9;
	_ =	strace $0x8000004B  }
0xb4: {  	_ =	swait.ge [sflag:s29], $0x1  }
0xb5: {  	[sflag:s29] =	ssyncadd.s32 $0xFFFFFFFF  }
0xb6: {  	_ =	strace $0x9000004B  }
0xb7: {  	_ =	sfence  }
0xb8: {  	s30 =	sld [smem:$0x0];
	_ =	sdelay $0x2  }
0xb9: {  	s31 =	sshll.u32 s1, $0xD;
	s1 =	sshrl.u32 s1, $0x2  }
0xba: {  	s3 =	sand.u32 $0x4000, s31;
	s1 =	sadd.s32 s1, s30  }
0xbb: {  	s0 =	sor.u32 s3, s0;
	s1 =	sshll.u32 s1, $0x11  }
0xbc: {  	s0 =	sor.u32 s1, s0  }
0xbd: {  	s0 =	sadd.s32 $0x8F2B, s0  }
0xbe: {  	[sflag:s0] =	ssyncadd.remote.s32 $0x1  }
0xbf: {  	_ =	sfence.sel $0xFFFF  }
0xc0: {  	[dreg:$0x0] =	wrdreg $0xFFFFFFFF;
	(pc) =	sbr.abs _section_cstart, $3  }
0xc1: {  	[dreg:$0x1] =	wrdreg $0xFFFFFFFF  }
0xc2: {  	_ =	task.clear_ibuf [dreg:s7], $0x2FFFF;
	_ =	strace $0x9FFFFFFF  }
0xc3: {  	(tm) =	ssettm $0x7FFFFFFF  }
tec
execute0_lowered:
.L_overlay_start_1:
0x0: {  	(tag) =	ssettag $0x1  }
0x1: {  	s5 =	rddreg [dreg:$0x0]  }
0x2: {  	s1 =	srdreg.scid;
	s2 =	rddreg [dreg:$0x1]  }
0x3: {  	s0 =	stileid.u32;
	s3 =	rddreg [dreg:$0x2]  }
0x4: {  	s4 =	simm.s32 $0x0;
	s13 =	simm.s32 $0x80;
	s14 =	simm.s32 $0x4F00  }
0x5: {  	s15 =	simm.s32 $0x1;
	s6 =	sand.u32 $0x1, s1;
	s1 =	rddreg [dreg:$0x3]  }
0x6: {  	s16 =	simm.s32 $0x2;
	s31 =	sshll.u32 s0, $0x1;
	[smem:$0x7FF] =	sst s4  }
0x7: {  	s10 =	smul.u32 $0x14000, s0;
	s11 =	sshll.u32 s0, $0x6;
	s7 =	sor.u32 s6, s31  }
0x8: {  	s8 =	smul.u32 $0x28000, s6;
	s6 =	ssub.s32 $0x2, s6;
	_ =	strace $0x8000004A  }
0x9: {  	s11 =	sor.u32 $0x1C03, s11;
	s7 =	smul.u32 $0x4F0, s7;
	s9 =	sshrl.u32 s6, $0x1  }
0xa: {  	s12 =	sadd.s32 s10, s3;
	s18 =	sshrl.u32 s10, $0x3;
	s10 =	simm.s32 $0x2780  }
0xb: {  	s8 =	sadd.s32 s8, s5;
	s9 =	ssub.s32 s6, s9;
	s7 =	sadd.s32 s7, s5  }
0xc: {  	s12 =	sshrl.u32 s12, $0x3;
	s17 =	sadd.s32 $0x66000, s8;
	s5 =	sadd.s32 $0xC200, s7  }
0xd: {  	s6 =	sadd.s32 $0x1C00, s7;
	s7 =	sadd.s32 $0x16000, s8;
	s8 =	smax.u32 s9, $0x1  }
0xe: {  	s9 =	simm.s32 $0x3;
	s17 =	sadd.s32 s18, s17;
	s18 =	simm.s32 $0x0  }
.LBB2_1:
0xf: {  	[tilespmem:s4], [sflag:$0x3] =	stream.linear.gather [hbm4b:s5+s4], $0x2780, $0x38;
	[tilespmem:$0x1CF00] =	vst v63  }
0x10: {  	_ =	swait.ge [sflag:s9], $0x2780  }
0x11: {  	[sflag:s9] =	ssyncset.done $0x0  }
0x12: {  	[sflag:s9] =	ssyncadd.s32 $0xFFFFD880  }
0x13: {  	[tilespmem:s10], [sflag:$0x3] =	stream.linear.gather [hbm4b:s6+s4], $0x2780, $0x38;
	[tilespmem:$0x1CF00] =	vst v63  }
0x14: {  	_ =	swait.ge [sflag:s9], $0x2780  }
0x15: {  	[sflag:s9] =	ssyncset.done $0x0  }
0x16: {  	[sflag:s9] =	ssyncadd.s32 $0xFFFFD880  }
0x17: {  	[spmem:s12], [sflag:s11] =	dma.local [hbm:s2], $0x2800  }
0x18: {  	_ =	swait.ge [sflag:s9], $0x2800  }
0x19: {  	[sflag:s9] =	ssyncset.done $0x0  }
0x1a: {  	[sflag:s9] =	ssyncadd.s32 $0xFFFFD800  }
0x1b: {  	s19 =	simm.s32 $0x0;
	[bflag:$0x0] =	sbarrier.arrive $0xFFFF  }
0x1c: {  	[tilespmem:s14], [sflag:$0x1] =	stream.indirect.gather [hbm4b:s7+s13], $0x80, s19, s13, $0xb8;
	[tilespmem:$0x1CF00] =	vst v63  }
0x1d: {  	_ =	swait.ge [sflag:s15], $0x4000  }
0x1e: {  	[sflag:s15] =	ssyncset.done $0x0  }
0x1f: {  	s31 =	simm.s32 $0x2780;
	[sflag:s15] =	ssyncadd.s32 $0xFFFFC000  }
0x20: {  	[spmem:s3] =	stream.indirect.scatter.add.f32 [tilespmem:s14], [sflag:$0x2], $0x80, s31, s13, $0xb8;
	[tilespmem:$0x1CF00] =	vst v63  }
0x21: {  	_ =	swait.ge [sflag:s16], $0x4000  }
0x22: {  	s20 =	simm.s32 $0x400;
	s19 =	simm.s32 $0x200;
	[sflag:s16] =	ssyncset.done $0x0  }
.LBB2_2:
0x23: {  	s21 =	sshra.s32 s19, $0x2  }
0x24: {  	[sflag:s16] =	ssyncadd.s32 $0xFFFFC000;
	s19 =	smov.u32 s20;
	s22 =	sadd.s32 $0x200, s20  }
0x25: {  	[tilespmem:s14], [sflag:$0x1] =	stream.indirect.gather [hbm4b:s7+s13], $0x80, s21, s13, $0xb8;
	[tilespmem:$0x1CF00] =	vst v63  }
0x26: {  	p0 =	sne.s32 s20, $0x9C00;
	_ =	swait.ge [sflag:s15], $0x4000  }
.Ltmp0:
0x27: {  	[sflag:s15] =	ssyncset.done $0x0;
	(pc) =	sbr.rel @p0 .LBB2_2-.Ltmp0, $4  }
0x28: {  	s20 =	sadd.s32 $0x2780, s21;
	[sflag:s15] =	ssyncadd.s32 $0xFFFFC000  }
0x29: {  	[spmem:s3] =	stream.indirect.scatter.add.f32 [tilespmem:s14], [sflag:$0x2], $0x80, s20, s13, $0xb8;
	[tilespmem:$0x1CF00] =	vst v63  }
0x2a: {  	_ =	swait.ge [sflag:s16], $0x4000  }
0x2b: {  	s20 =	smov.u32 s22;
	[sflag:s16] =	ssyncset.done $0x0  }
0x2c: {  	s19 =	sshra.s32 s19, $0x2;
	[sflag:s16] =	ssyncadd.s32 $0xFFFFC000  }
0x2d: {  	[tilespmem:s14], [sflag:$0x1] =	stream.indirect.gather [hbm4b:s7+s13], $0x80, s19, s13, $0xb8;
	[tilespmem:$0x1CF00] =	vst v63  }
0x2e: {  	_ =	swait.ge [sflag:s15], $0x4000  }
0x2f: {  	[sflag:s15] =	ssyncset.done $0x0  }
0x30: {  	s19 =	sadd.s32 $0x2780, s19;
	[sflag:s15] =	ssyncadd.s32 $0xFFFFC000  }
0x31: {  	[spmem:s3] =	stream.indirect.scatter.add.f32 [tilespmem:s14], [sflag:$0x2], $0x80, s19, s13, $0xb8;
	[tilespmem:$0x1CF00] =	vst v63  }
0x32: {  	_ =	swait.ge [sflag:s16], $0x4000  }
0x33: {  	s18 =	sadd.s32 $0x1, s18;
	[sflag:s16] =	ssyncset.done $0x0  }
0x34: {  	p0 =	sne.s32 s18, s8;
	[sflag:s16] =	ssyncadd.s32 $0xFFFFC000  }
.Ltmp1:
0x35: {  	[bflag:$0x0] =	sbarrier.arrive $0xFFFF;
	(pc) =	sbr.rel @p0 .LBB2_1-.Ltmp1, $4  }
0x36: {  	[hbm:s17], [sflag:s11] =	dma.local [spmem:s12], $0x2800  }
0x37: {  	_ =	swait.ge [sflag:s9], $0x2800  }
0x38: {  	[sflag:s9] =	ssyncset.done $0x0  }
0x39: {  	[sflag:s9] =	ssyncadd.s32 $0xFFFFD800  }
0x3a: {  	_ =	sfence.sel $0x180000  }
0x3b: {  	[bflag:$0x0] =	sbarrier.arrive $0xFFFF  }
0x3c: {  	p0 =	sne.s32 s0, $0x0;
	_ =	strace $0x9000004A  }
0x3d: {  	s0 =	sadd.s32 @!p0 $0x100000, s1;
	[bflag:$0x2] =	sbarrier.arrive $0xFFFF  }
0x3e: {  	[sflag:s0] =	ssyncadd.tile.s32 @!p0 $0x1;
	_ =	shalt  }
.Lfunc_end2:
_tile_overlayer_lowered:
.L_overlay_start_2:
0x3f: {  	(tag) =	ssettag $0x2  }
0x40: {  	s0 =	rddreg [dreg:$0x0];
	s2 =	stileid.u32  }
0x41: {  	s1 =	rddreg [dreg:$0x1];
	p0 =	sne.s32 s2, $0x0  }
0x42: {  	s3 =	rddreg [dreg:$0x2];
	[bflag:$0x3] =	sbarrier.arrive $0xFFFF;
	s2 =	simm.s32 @!p0 $0x1C03  }
0x43: {  	[timem:s3], [sflag:s2] =	dma.local @!p0 [hbm:s0], s1  }
0x44: {  	s0 =	simm.s32 @!p0 $0x3  }
0x45: {  	_ =	swait.ge @!p0 [sflag:s0], s1  }
0x46: {  	s1 =	ssub.s32 @!p0 $0x0, s1;
	[sflag:s0] =	ssyncset.done @!p0 $0x0  }
0x47: {  	[sflag:s0] =	ssyncadd.s32 @!p0 s1  }
0x48: {  	[bflag:$0x3] =	sbarrier.arrive $0xFFFF  }
0x49: {  	_ =	shalt  }

// kernel: kernel.14.cloned.1.call-start
scs
__scs_entry_jumppad:
0x0: {  	(pc) =	sbr.rel $0x88, $3  }
0x1: {  	(tag) =	ssettag $0x0;
	lr =	simm.s32 $0x1  }
0x2: {  	[smem:$0x3F9B] =	sst lr;
	_ =	strace $0xD0000000  }
0x3: {  	_ = 	snop  }
0x4: {  	_ = 	snop  }
0x5: {  	_ = 	snop  }
0x6: {  	_ = 	snop  }
0x7: {  	_ = 	snop  }
__scs_overlays_trampoline_lowered:
0x8: {  	[smem:$0x3FAA] =	sst s0  }
0x9: {  	[smem:$0x3FAB] =	sst s1  }
0xa: {  	[smem:$0x3FAC] =	sst s2  }
0xb: {  	[smem:$0x3FAD] =	sst s3  }
0xc: {  	[smem:$0x3FAE] =	sst s4  }
0xd: {  	[smem:$0x3FAF] =	sst s5  }
0xe: {  	[smem:$0x3FB0] =	sst s6  }
0xf: {  	[smem:$0x3FB1] =	sst s7  }
0x10: {  	[smem:$0x3FB2] =	sst s8  }
0x11: {  	[smem:$0x3FB3] =	sst s9;
	s0 =	simm.s32 @!p0 $0x0  }
0x12: {  	s1 =	sld [smem:$0x3F99];
	s0 =	simm.s32 @p0 $0x1  }
0x13: {  	[smem:$0x3FB4] =	sst s0;
	s0 =	simm.s32 @!p1 $0x0  }
0x14: {  	s2 =	sld [smem:$0x3F98];
	s0 =	simm.s32 @p1 $0x1  }
0x15: {  	[smem:$0x3FB5] =	sst s0;
	s0 =	simm.s32 @!p2 $0x0  }
0x16: {  	s3 =	sld [smem:$0x3FDB];
	s0 =	simm.s32 @p2 $0x1  }
0x17: {  	s4 =	simm.s32 $0x1BF5;
	[smem:$0x3FB7] =	sst s0  }
0x18: {  	s0 =	sld [smem:$0x3F9A];
	_ =	swait.ge [sflag:s4], $0x0  }
0x19: {  	s7 =	sld [smem:$0x3F9B]  }
0x1a: {  	s8 =	sadd.s32 $0xFFFFE003, lr  }
0x1b: {  	s9 =	sadd.s32 $0xFFFFFEF7, lr;
	s5 =	simm.s32 $0xFFFFFFFF;
	p2 =	slt.u32 s8, $0xFFFFF086  }
0x1c: {  	p1 =	slt.u32 s9, $0xF7A;
	s5 =	simm.s32 @!p2 $0x0  }
0x1d: {  	s5 =	simm.s32 @p1 $0x1;
	p0 =	seq.s32 s7, s2  }
0x1e: {  	s7 =	smul.u32 @!p0 $0xF7A, s2;
	p2 =	seq.s32 @!p0 s5, $0x0  }
0x1f: {  	s9 =	smul.u32 $0xF7A, s1;
	s8 =	simm.s32 @!p0 $0x1BF5;
	p2 =	por !p2, p0  }
0x20: {  	[sflag:s8] =	ssyncset.s32 @!p0 $0xFFFFF086;
	s6 =	sadd.s32 @!p0 s3, s7;
	s7 =	simm.s32 @!p0 $0x108  }
0x21: {  	s3 =	sadd.s32 s3, s9;
	s6 =	sadd.s32 @!p0 $0x88, s6;
	s7 =	simm.s32 @p2 $0x1082  }
0x22: {  	[simem:s7], [sflag:s8] =	dma.local @!p0 [hbm:s6], $0xF7A  }
0x23: {  	s9 =	sor.u32 $0xD0000000, s2;
	s6 =	simm.s32 $0x108;
	_ =	swait.ge @!p0 [sflag:s8], $0x0  }
0x24: {  	s3 =	sadd.s32 $0x88, s3;
	s6 =	simm.s32 @!p1 $0x1082;
	[sflag:s4] =	ssyncset.s32 $0xFFFFF086  }
0x25: {  	[simem:s6], [sflag:s4] =	dma.local [hbm:s3], $0xF7A  }
0x26: {  	[smem:$0x3F9B] =	sst s1;
	(tag) =	ssettag s2;
	_ =	strace s9  }
0x27: {  	s1 =	sld [smem:$0x3FAB]  }
0x28: {  	s2 =	sld [smem:$0x3FAC]  }
0x29: {  	s4 =	sld [smem:$0x3FAE]  }
0x2a: {  	p0 =	seq.s32 s5, $0x0;
	s5 =	sld [smem:$0x3FAF]  }
0x2b: {  	s6 =	sld [smem:$0x3FB0]  }
0x2c: {  	s7 =	sld [smem:$0x3FB1]  }
0x2d: {  	s3 =	simm.s32 $0x108;
	s8 =	sld [smem:$0x3FB2]  }
0x2e: {  	s3 =	simm.s32 @!p0 $0x1082;
	s9 =	sld [smem:$0x3FB3]  }
0x2f: {  	lr =	sadd.s32 s0, s3;
	s0 =	sld [smem:$0x3FAA]  }
0x30: {  	s3 =	sld [smem:$0x3FAD]  }
0x31: {  	[smem:$0x3FB6] =	sst s10  }
0x32: {  	s10 =	sld [smem:$0x3FB4];
	_ =	sdelay $0x3  }
0x33: {  	p0 =	seq.s32 s10, $0x1;
	s10 =	sld [smem:$0x3FB6];
	_ =	sdelay $0x3  }
0x34: {  	[smem:$0x3FB6] =	sst s10  }
0x35: {  	s10 =	sld [smem:$0x3FB5];
	_ =	sdelay $0x3  }
0x36: {  	p1 =	seq.s32 s10, $0x1;
	s10 =	sld [smem:$0x3FB6];
	_ =	sdelay $0x3  }
0x37: {  	[smem:$0x3FB6] =	sst s10  }
0x38: {  	s10 =	sld [smem:$0x3FB7]  }
0x39: {  	_ = 	snop;
	(pc) =	sbr.ind lr, $3  }
0x3a: {  	_ = 	snop  }
0x3b: {  	_ = 	snop  }
0x3c: {  	p2 =	seq.s32 s10, $0x1;
	s10 =	sld [smem:$0x3FB6]  }
0x3d: {  	_ =	shalt  }
0x3e: {  	_ =	shalt  }
0x3f: {  	_ =	shalt  }
0x40: {  	_ =	shalt  }
0x41: {  	_ =	shalt  }
0x42: {  	_ =	shalt  }
0x43: {  	_ =	shalt  }
0x44: {  	_ =	shalt  }
0x45: {  	_ =	shalt  }
0x46: {  	_ =	shalt  }
0x47: {  	_ =	shalt  }
0x48: {  	_ =	shalt  }
0x49: {  	_ =	shalt  }
0x4a: {  	_ =	shalt  }
0x4b: {  	_ =	shalt  }
0x4c: {  	_ =	shalt  }
0x4d: {  	_ =	shalt  }
0x4e: {  	_ =	shalt  }
0x4f: {  	_ =	shalt  }
0x50: {  	_ =	shalt  }
0x51: {  	_ =	shalt  }
0x52: {  	_ =	shalt  }
0x53: {  	_ =	shalt  }
0x54: {  	_ =	shalt  }
0x55: {  	_ =	shalt  }
0x56: {  	_ =	shalt  }
0x57: {  	_ =	shalt  }
0x58: {  	_ =	shalt  }
0x59: {  	_ =	shalt  }
0x5a: {  	_ =	shalt  }
0x5b: {  	_ =	shalt  }
0x5c: {  	_ =	shalt  }
0x5d: {  	_ =	shalt  }
0x5e: {  	_ =	shalt  }
0x5f: {  	_ =	shalt  }
0x60: {  	_ =	shalt  }
0x61: {  	_ =	shalt  }
0x62: {  	_ =	shalt  }
0x63: {  	_ =	shalt  }
0x64: {  	_ =	shalt  }
0x65: {  	_ =	shalt  }
0x66: {  	_ =	shalt  }
0x67: {  	_ =	shalt  }
0x68: {  	_ =	shalt  }
0x69: {  	_ =	shalt  }
0x6a: {  	_ =	shalt  }
0x6b: {  	_ =	shalt  }
0x6c: {  	_ =	shalt  }
0x6d: {  	_ =	shalt  }
0x6e: {  	_ =	shalt  }
0x6f: {  	_ =	shalt  }
0x70: {  	_ =	shalt  }
0x71: {  	_ =	shalt  }
0x72: {  	_ =	shalt  }
0x73: {  	_ =	shalt  }
0x74: {  	_ =	shalt  }
0x75: {  	_ =	shalt  }
0x76: {  	_ =	shalt  }
0x77: {  	_ =	shalt  }
0x78: {  	_ =	shalt  }
0x79: {  	_ =	shalt  }
0x7a: {  	_ =	shalt  }
0x7b: {  	_ =	shalt  }
0x7c: {  	_ =	shalt  }
0x7d: {  	_ =	shalt  }
0x7e: {  	_ =	shalt  }
0x7f: {  	_ =	shalt  }
0x80: {  	_ =	shalt  }
0x81: {  	_ =	shalt  }
0x82: {  	_ =	shalt  }
0x83: {  	_ =	shalt  }
0x84: {  	_ =	shalt  }
0x85: {  	_ =	shalt  }
0x86: {  	_ =	shalt  }
0x87: {  	_ =	shalt  }
.Lfunc_end0:
.L_simem_size_0:
called_computation.2_lowered:
.L_overlay_start_0:
0x88: {  	s2 =	sld [smem:$0x3FD9]  }
0x89: {  	s3 =	sld [smem:$0x3FFE];
	_ =	sdelay $0x1  }
0x8a: {  	s1 =	srdreg.scid  }
0x8b: {  	s0 =	sand.u32 $0x1, s1  }
0x8c: {  	s17 =	sshll.u32 s0, $0xA;
	s2 =	sadd.s32 s3, s2  }
0x8d: {  	s2 =	sadd.s32 s2, s17  }
0x8e: {  	[smem:$0x3FC2] =	sst s2  }
0x8f: {  	_ = 	snop  }
0x90: {  	s2 =	sld [smem:$0x3FD0];
	(tm) =	ssettm $0x1  }
0x91: {  	s18 =	sld [smem:$0x3FFB];
	_ =	sdelay $0x3  }
0x92: {  	_ =	strace s18  }
0x93: {  	s3 =	sld [smem:$0x3FFC];
	_ =	sdelay $0x3  }
0x94: {  	_ =	strace s3  }
0x95: {  	s3 =	sld [smem:$0x3FFD];
	_ =	sdelay $0x3  }
0x96: {  	_ =	strace s3  }
0x97: {  	_ =	strace $0x8FFFFFFF  }
0x98: {  	s19 =	sld [smem:$0x3FDB];
	_ =	sdelay $0x1  }
0x99: {  	s4 =	simm.s32 $_scs_section_size  }
0x9a: {  	s5 =	simm.s32 $_size__tile_overlayer_lowered;
	s6 =	simm.s32 $_tile_overlayer_lowered  }
0x9b: {  	s22 =	simm.s32 $0x1BFF;
	s21 =	sshll.u32 s6, $0x1;
	s3 =	sadd.s32 s4, s19  }
0x9c: {  	s7 =	simm.s32 $0x0;
	s20 =	sshll.u32 s5, $0x1;
	s5 =	sadd.s32 s21, s3  }
0x9d: {  	[timem:s7], [sflag:s22] =	dma.local [hbm:s5], s20  }
0x9e: {  	_ =	swait.ge [sflag:s22], s20  }
0x9f: {  	s4 =	ssub.s32 $0x0, s20;
	[sflag:s22] =	ssyncset.done $0x0  }
0xa0: {  	[sflag:s22] =	ssyncadd.s32 s4;
	_ =	sdelay $0x1  }
0xa1: {  	s23 =	simm.s32 $0x1B8B  }
0xa2: {  	_ =	swait.ge [sflag:s23], $0x1  }
0xa3: {  	[sflag:s23] =	ssyncset.done $0x0  }
0xa4: {  	s25 =	simm.s32 $0x1B8E;
	s24 =	sld [smem:$0x3FFE];
	[sflag:s23] =	ssyncadd.s32 $0xFFFFFFFF  }
0xa5: {  	s26 =	simm.s32 $execute0_lowered;
	[smem:$0x3FD2] =	sst s25  }
0xa6: {  	s5 =	sshll.u32 s26, $0x1;
	_ =	strace $0x8000004C;
	[dreg:$0x1] =	wrdreg $0xFFFFFFFF  }
0xa7: {  	s28 =	simm.s32 $_size_execute0_lowered;
	s3 =	sadd.s32 s3, s5;
	[dreg:$0x0] =	wrdreg $0x0  }
0xa8: {  	s5 =	sshll.u32 s28, $0x1;
	[dreg:$0x2] =	wrdreg s3  }
0xa9: {  	[dreg:$0x3] =	wrdreg s5  }
0xaa: {  	[dreg:$0x4] =	wrdreg $0xC0  }
0xab: {  	_ =	task [dreg:s7], $0x5FFFF  }
0xac: {  	[dreg:$0x1] =	wrdreg $0xFFFFFFFF  }
0xad: {  	[dreg:$0x0] =	wrdreg $0x60  }
0xae: {  	[dreg:$0x2] =	wrdreg s24  }
0xaf: {  	[dreg:$0x3] =	wrdreg s2  }
0xb0: {  	[dreg:$0x4] =	wrdreg $0x8F000  }
0xb1: {  	[dreg:$0x5] =	wrdreg $0x9  }
0xb2: {  	_ =	task.clear_ibuf [dreg:s7], $0x6FFFF;
	_ =	strace $0x9000004C  }
0xb3: {  	s29 =	simm.s32 $0x9;
	_ =	strace $0x8000004E  }
0xb4: {  	_ =	swait.ge [sflag:s29], $0x1  }
0xb5: {  	[sflag:s29] =	ssyncadd.s32 $0xFFFFFFFF  }
0xb6: {  	_ =	strace $0x9000004E  }
0xb7: {  	_ =	sfence  }
0xb8: {  	s30 =	sld [smem:$0x0];
	_ =	sdelay $0x2  }
0xb9: {  	s31 =	sshll.u32 s1, $0xD;
	s1 =	sshrl.u32 s1, $0x2  }
0xba: {  	s3 =	sand.u32 $0x4000, s31;
	s1 =	sadd.s32 s1, s30  }
0xbb: {  	s0 =	sor.u32 s3, s0;
	s1 =	sshll.u32 s1, $0x11  }
0xbc: {  	s0 =	sor.u32 s1, s0  }
0xbd: {  	s0 =	sadd.s32 $0x8F2B, s0  }
0xbe: {  	[sflag:s0] =	ssyncadd.remote.s32 $0x1  }
0xbf: {  	_ =	sfence.sel $0xFFFF  }
0xc0: {  	[dreg:$0x0] =	wrdreg $0xFFFFFFFF;
	(pc) =	sbr.abs _section_cstart, $3  }
0xc1: {  	[dreg:$0x1] =	wrdreg $0xFFFFFFFF  }
0xc2: {  	_ =	task.clear_ibuf [dreg:s7], $0x2FFFF;
	_ =	strace $0x9FFFFFFF  }
0xc3: {  	(tm) =	ssettm $0x7FFFFFFF  }
tec
execute0_lowered:
.L_overlay_start_1:
0x0: {  	(tag) =	ssettag $0x1  }
0x1: {  	s5 =	rddreg [dreg:$0x0]  }
0x2: {  	s1 =	srdreg.scid;
	s2 =	rddreg [dreg:$0x1]  }
0x3: {  	s0 =	stileid.u32;
	s3 =	rddreg [dreg:$0x2]  }
0x4: {  	s4 =	simm.s32 $0x0;
	s13 =	simm.s32 $0x80;
	s14 =	simm.s32 $0x4F00  }
0x5: {  	s15 =	simm.s32 $0x1;
	s6 =	sand.u32 $0x1, s1;
	s1 =	rddreg [dreg:$0x3]  }
0x6: {  	s16 =	simm.s32 $0x2;
	s31 =	sshll.u32 s0, $0x1;
	[smem:$0x7FF] =	sst s4  }
0x7: {  	s10 =	smul.u32 $0x14000, s0;
	s11 =	sshll.u32 s0, $0x6;
	s7 =	sor.u32 s6, s31  }
0x8: {  	s8 =	smul.u32 $0x28000, s6;
	s6 =	ssub.s32 $0x2, s6;
	_ =	strace $0x8000004D  }
0x9: {  	s11 =	sor.u32 $0x1C03, s11;
	s7 =	smul.u32 $0x4F0, s7;
	s9 =	sshrl.u32 s6, $0x1  }
0xa: {  	s12 =	sadd.s32 s10, s3;
	s18 =	sshrl.u32 s10, $0x3;
	s10 =	simm.s32 $0x2780  }
0xb: {  	s8 =	sadd.s32 s8, s5;
	s9 =	ssub.s32 s6, s9;
	s7 =	sadd.s32 s7, s5  }
0xc: {  	s12 =	sshrl.u32 s12, $0x3;
	s17 =	sadd.s32 $0x66000, s8;
	s5 =	sadd.s32 $0xC200, s7  }
0xd: {  	s6 =	sadd.s32 $0x1C00, s7;
	s7 =	sadd.s32 $0x16000, s8;
	s8 =	smax.u32 s9, $0x1  }
0xe: {  	s9 =	simm.s32 $0x3;
	s17 =	sadd.s32 s18, s17;
	s18 =	simm.s32 $0x0  }
.LBB2_1:
0xf: {  	[tilespmem:s4], [sflag:$0x3] =	stream.linear.gather [hbm4b:s5+s4], $0x2780, $0x38;
	[tilespmem:$0x1CF00] =	vst v63  }
0x10: {  	_ =	swait.ge [sflag:s9], $0x2780  }
0x11: {  	[sflag:s9] =	ssyncset.done $0x0  }
0x12: {  	[sflag:s9] =	ssyncadd.s32 $0xFFFFD880  }
0x13: {  	[tilespmem:s10], [sflag:$0x3] =	stream.linear.gather [hbm4b:s6+s4], $0x2780, $0x38;
	[tilespmem:$0x1CF00] =	vst v63  }
0x14: {  	_ =	swait.ge [sflag:s9], $0x2780  }
0x15: {  	[sflag:s9] =	ssyncset.done $0x0  }
0x16: {  	[sflag:s9] =	ssyncadd.s32 $0xFFFFD880  }
0x17: {  	[spmem:s12], [sflag:s11] =	dma.local [hbm:s2], $0x2800  }
0x18: {  	_ =	swait.ge [sflag:s9], $0x2800  }
0x19: {  	[sflag:s9] =	ssyncset.done $0x0  }
0x1a: {  	[sflag:s9] =	ssyncadd.s32 $0xFFFFD800  }
0x1b: {  	s19 =	simm.s32 $0x0;
	[bflag:$0x0] =	sbarrier.arrive $0xFFFF  }
0x1c: {  	[tilespmem:s14], [sflag:$0x1] =	stream.indirect.gather [hbm4b:s7+s13], $0x80, s19, s13, $0xb8;
	[tilespmem:$0x1CF00] =	vst v63  }
0x1d: {  	_ =	swait.ge [sflag:s15], $0x4000  }
0x1e: {  	[sflag:s15] =	ssyncset.done $0x0  }
0x1f: {  	s31 =	simm.s32 $0x2780;
	[sflag:s15] =	ssyncadd.s32 $0xFFFFC000  }
0x20: {  	[spmem:s3] =	stream.indirect.scatter.add.f32 [tilespmem:s14], [sflag:$0x2], $0x80, s31, s13, $0xb8;
	[tilespmem:$0x1CF00] =	vst v63  }
0x21: {  	_ =	swait.ge [sflag:s16], $0x4000  }
0x22: {  	s20 =	simm.s32 $0x400;
	s19 =	simm.s32 $0x200;
	[sflag:s16] =	ssyncset.done $0x0  }
.LBB2_2:
0x23: {  	s21 =	sshra.s32 s19, $0x2  }
0x24: {  	[sflag:s16] =	ssyncadd.s32 $0xFFFFC000;
	s19 =	smov.u32 s20;
	s22 =	sadd.s32 $0x200, s20  }
0x25: {  	[tilespmem:s14], [sflag:$0x1] =	stream.indirect.gather [hbm4b:s7+s13], $0x80, s21, s13, $0xb8;
	[tilespmem:$0x1CF00] =	vst v63  }
0x26: {  	p0 =	sne.s32 s20, $0x9C00;
	_ =	swait.ge [sflag:s15], $0x4000  }
.Ltmp0:
0x27: {  	[sflag:s15] =	ssyncset.done $0x0;
	(pc) =	sbr.rel @p0 .LBB2_2-.Ltmp0, $4  }
0x28: {  	s20 =	sadd.s32 $0x2780, s21;
	[sflag:s15] =	ssyncadd.s32 $0xFFFFC000  }
0x29: {  	[spmem:s3] =	stream.indirect.scatter.add.f32 [tilespmem:s14], [sflag:$0x2], $0x80, s20, s13, $0xb8;
	[tilespmem:$0x1CF00] =	vst v63  }
0x2a: {  	_ =	swait.ge [sflag:s16], $0x4000  }
0x2b: {  	s20 =	smov.u32 s22;
	[sflag:s16] =	ssyncset.done $0x0  }
0x2c: {  	s19 =	sshra.s32 s19, $0x2;
	[sflag:s16] =	ssyncadd.s32 $0xFFFFC000  }
0x2d: {  	[tilespmem:s14], [sflag:$0x1] =	stream.indirect.gather [hbm4b:s7+s13], $0x80, s19, s13, $0xb8;
	[tilespmem:$0x1CF00] =	vst v63  }
0x2e: {  	_ =	swait.ge [sflag:s15], $0x4000  }
0x2f: {  	[sflag:s15] =	ssyncset.done $0x0  }
0x30: {  	s19 =	sadd.s32 $0x2780, s19;
	[sflag:s15] =	ssyncadd.s32 $0xFFFFC000  }
0x31: {  	[spmem:s3] =	stream.indirect.scatter.add.f32 [tilespmem:s14], [sflag:$0x2], $0x80, s19, s13, $0xb8;
	[tilespmem:$0x1CF00] =	vst v63  }
0x32: {  	_ =	swait.ge [sflag:s16], $0x4000  }
0x33: {  	s18 =	sadd.s32 $0x1, s18;
	[sflag:s16] =	ssyncset.done $0x0  }
0x34: {  	p0 =	sne.s32 s18, s8;
	[sflag:s16] =	ssyncadd.s32 $0xFFFFC000  }
.Ltmp1:
0x35: {  	[bflag:$0x0] =	sbarrier.arrive $0xFFFF;
	(pc) =	sbr.rel @p0 .LBB2_1-.Ltmp1, $4  }
0x36: {  	[hbm:s17], [sflag:s11] =	dma.local [spmem:s12], $0x2800  }
0x37: {  	_ =	swait.ge [sflag:s9], $0x2800  }
0x38: {  	[sflag:s9] =	ssyncset.done $0x0  }
0x39: {  	[sflag:s9] =	ssyncadd.s32 $0xFFFFD800  }
0x3a: {  	_ =	sfence.sel $0x180000  }
0x3b: {  	[bflag:$0x0] =	sbarrier.arrive $0xFFFF  }
0x3c: {  	p0 =	sne.s32 s0, $0x0;
	_ =	strace $0x9000004D  }
0x3d: {  	s0 =	sadd.s32 @!p0 $0x100000, s1;
	[bflag:$0x2] =	sbarrier.arrive $0xFFFF  }
0x3e: {  	[sflag:s0] =	ssyncadd.tile.s32 @!p0 $0x1;
	_ =	shalt  }
.Lfunc_end2:
_tile_overlayer_lowered:
.L_overlay_start_2:
0x3f: {  	(tag) =	ssettag $0x2  }
0x40: {  	s0 =	rddreg [dreg:$0x0];
	s2 =	stileid.u32  }
0x41: {  	s1 =	rddreg [dreg:$0x1];
	p0 =	sne.s32 s2, $0x0  }
0x42: {  	s3 =	rddreg [dreg:$0x2];
	[bflag:$0x3] =	sbarrier.arrive $0xFFFF;
	s2 =	simm.s32 @!p0 $0x1C03  }
0x43: {  	[timem:s3], [sflag:s2] =	dma.local @!p0 [hbm:s0], s1  }
0x44: {  	s0 =	simm.s32 @!p0 $0x3  }
0x45: {  	_ =	swait.ge @!p0 [sflag:s0], s1  }
0x46: {  	s1 =	ssub.s32 @!p0 $0x0, s1;
	[sflag:s0] =	ssyncset.done @!p0 $0x0  }
0x47: {  	[sflag:s0] =	ssyncadd.s32 @!p0 s1  }
0x48: {  	[bflag:$0x3] =	sbarrier.arrive $0xFFFF  }
0x49: {  	_ =	shalt  }

// kernel: kernel.8.cloned.1.call-start
scs
__scs_entry_jumppad:
0x0: {  	(pc) =	sbr.rel $0x88, $3  }
0x1: {  	(tag) =	ssettag $0x0;
	lr =	simm.s32 $0x1  }
0x2: {  	[smem:$0x3F9B] =	sst lr;
	_ =	strace $0xD0000000  }
0x3: {  	_ = 	snop  }
0x4: {  	_ = 	snop  }
0x5: {  	_ = 	snop  }
0x6: {  	_ = 	snop  }
0x7: {  	_ = 	snop  }
__scs_overlays_trampoline_lowered:
0x8: {  	[smem:$0x3FAA] =	sst s0  }
0x9: {  	[smem:$0x3FAB] =	sst s1  }
0xa: {  	[smem:$0x3FAC] =	sst s2  }
0xb: {  	[smem:$0x3FAD] =	sst s3  }
0xc: {  	[smem:$0x3FAE] =	sst s4  }
0xd: {  	[smem:$0x3FAF] =	sst s5  }
0xe: {  	[smem:$0x3FB0] =	sst s6  }
0xf: {  	[smem:$0x3FB1] =	sst s7  }
0x10: {  	[smem:$0x3FB2] =	sst s8  }
0x11: {  	[smem:$0x3FB3] =	sst s9;
	s0 =	simm.s32 @!p0 $0x0  }
0x12: {  	s1 =	sld [smem:$0x3F99];
	s0 =	simm.s32 @p0 $0x1  }
0x13: {  	[smem:$0x3FB4] =	sst s0;
	s0 =	simm.s32 @!p1 $0x0  }
0x14: {  	s2 =	sld [smem:$0x3F98];
	s0 =	simm.s32 @p1 $0x1  }
0x15: {  	[smem:$0x3FB5] =	sst s0;
	s0 =	simm.s32 @!p2 $0x0  }
0x16: {  	s3 =	sld [smem:$0x3FDB];
	s0 =	simm.s32 @p2 $0x1  }
0x17: {  	s4 =	simm.s32 $0x1BF5;
	[smem:$0x3FB7] =	sst s0  }
0x18: {  	s0 =	sld [smem:$0x3F9A];
	_ =	swait.ge [sflag:s4], $0x0  }
0x19: {  	s7 =	sld [smem:$0x3F9B]  }
0x1a: {  	s8 =	sadd.s32 $0xFFFFE003, lr  }
0x1b: {  	s9 =	sadd.s32 $0xFFFFFEF7, lr;
	s5 =	simm.s32 $0xFFFFFFFF;
	p2 =	slt.u32 s8, $0xFFFFF086  }
0x1c: {  	p1 =	slt.u32 s9, $0xF7A;
	s5 =	simm.s32 @!p2 $0x0  }
0x1d: {  	s5 =	simm.s32 @p1 $0x1;
	p0 =	seq.s32 s7, s2  }
0x1e: {  	s7 =	smul.u32 @!p0 $0xF7A, s2;
	p2 =	seq.s32 @!p0 s5, $0x0  }
0x1f: {  	s9 =	smul.u32 $0xF7A, s1;
	s8 =	simm.s32 @!p0 $0x1BF5;
	p2 =	por !p2, p0  }
0x20: {  	[sflag:s8] =	ssyncset.s32 @!p0 $0xFFFFF086;
	s6 =	sadd.s32 @!p0 s3, s7;
	s7 =	simm.s32 @!p0 $0x108  }
0x21: {  	s3 =	sadd.s32 s3, s9;
	s6 =	sadd.s32 @!p0 $0x88, s6;
	s7 =	simm.s32 @p2 $0x1082  }
0x22: {  	[simem:s7], [sflag:s8] =	dma.local @!p0 [hbm:s6], $0xF7A  }
0x23: {  	s9 =	sor.u32 $0xD0000000, s2;
	s6 =	simm.s32 $0x108;
	_ =	swait.ge @!p0 [sflag:s8], $0x0  }
0x24: {  	s3 =	sadd.s32 $0x88, s3;
	s6 =	simm.s32 @!p1 $0x1082;
	[sflag:s4] =	ssyncset.s32 $0xFFFFF086  }
0x25: {  	[simem:s6], [sflag:s4] =	dma.local [hbm:s3], $0xF7A  }
0x26: {  	[smem:$0x3F9B] =	sst s1;
	(tag) =	ssettag s2;
	_ =	strace s9  }
0x27: {  	s1 =	sld [smem:$0x3FAB]  }
0x28: {  	s2 =	sld [smem:$0x3FAC]  }
0x29: {  	s4 =	sld [smem:$0x3FAE]  }
0x2a: {  	p0 =	seq.s32 s5, $0x0;
	s5 =	sld [smem:$0x3FAF]  }
0x2b: {  	s6 =	sld [smem:$0x3FB0]  }
0x2c: {  	s7 =	sld [smem:$0x3FB1]  }
0x2d: {  	s3 =	simm.s32 $0x108;
	s8 =	sld [smem:$0x3FB2]  }
0x2e: {  	s3 =	simm.s32 @!p0 $0x1082;
	s9 =	sld [smem:$0x3FB3]  }
0x2f: {  	lr =	sadd.s32 s0, s3;
	s0 =	sld [smem:$0x3FAA]  }
0x30: {  	s3 =	sld [smem:$0x3FAD]  }
0x31: {  	[smem:$0x3FB6] =	sst s10  }
0x32: {  	s10 =	sld [smem:$0x3FB4];
	_ =	sdelay $0x3  }
0x33: {  	p0 =	seq.s32 s10, $0x1;
	s10 =	sld [smem:$0x3FB6];
	_ =	sdelay $0x3  }
0x34: {  	[smem:$0x3FB6] =	sst s10  }
0x35: {  	s10 =	sld [smem:$0x3FB5];
	_ =	sdelay $0x3  }
0x36: {  	p1 =	seq.s32 s10, $0x1;
	s10 =	sld [smem:$0x3FB6];
	_ =	sdelay $0x3  }
0x37: {  	[smem:$0x3FB6] =	sst s10  }
0x38: {  	s10 =	sld [smem:$0x3FB7]  }
0x39: {  	_ = 	snop;
	(pc) =	sbr.ind lr, $3  }
0x3a: {  	_ = 	snop  }
0x3b: {  	_ = 	snop  }
0x3c: {  	p2 =	seq.s32 s10, $0x1;
	s10 =	sld [smem:$0x3FB6]  }
0x3d: {  	_ =	shalt  }
0x3e: {  	_ =	shalt  }
0x3f: {  	_ =	shalt  }
0x40: {  	_ =	shalt  }
0x41: {  	_ =	shalt  }
0x42: {  	_ =	shalt  }
0x43: {  	_ =	shalt  }
0x44: {  	_ =	shalt  }
0x45: {  	_ =	shalt  }
0x46: {  	_ =	shalt  }
0x47: {  	_ =	shalt  }
0x48: {  	_ =	shalt  }
0x49: {  	_ =	shalt  }
0x4a: {  	_ =	shalt  }
0x4b: {  	_ =	shalt  }
0x4c: {  	_ =	shalt  }
0x4d: {  	_ =	shalt  }
0x4e: {  	_ =	shalt  }
0x4f: {  	_ =	shalt  }
0x50: {  	_ =	shalt  }
0x51: {  	_ =	shalt  }
0x52: {  	_ =	shalt  }
0x53: {  	_ =	shalt  }
0x54: {  	_ =	shalt  }
0x55: {  	_ =	shalt  }
0x56: {  	_ =	shalt  }
0x57: {  	_ =	shalt  }
0x58: {  	_ =	shalt  }
0x59: {  	_ =	shalt  }
0x5a: {  	_ =	shalt  }
0x5b: {  	_ =	shalt  }
0x5c: {  	_ =	shalt  }
0x5d: {  	_ =	shalt  }
0x5e: {  	_ =	shalt  }
0x5f: {  	_ =	shalt  }
0x60: {  	_ =	shalt  }
0x61: {  	_ =	shalt  }
0x62: {  	_ =	shalt  }
0x63: {  	_ =	shalt  }
0x64: {  	_ =	shalt  }
0x65: {  	_ =	shalt  }
0x66: {  	_ =	shalt  }
0x67: {  	_ =	shalt  }
0x68: {  	_ =	shalt  }
0x69: {  	_ =	shalt  }
0x6a: {  	_ =	shalt  }
0x6b: {  	_ =	shalt  }
0x6c: {  	_ =	shalt  }
0x6d: {  	_ =	shalt  }
0x6e: {  	_ =	shalt  }
0x6f: {  	_ =	shalt  }
0x70: {  	_ =	shalt  }
0x71: {  	_ =	shalt  }
0x72: {  	_ =	shalt  }
0x73: {  	_ =	shalt  }
0x74: {  	_ =	shalt  }
0x75: {  	_ =	shalt  }
0x76: {  	_ =	shalt  }
0x77: {  	_ =	shalt  }
0x78: {  	_ =	shalt  }
0x79: {  	_ =	shalt  }
0x7a: {  	_ =	shalt  }
0x7b: {  	_ =	shalt  }
0x7c: {  	_ =	shalt  }
0x7d: {  	_ =	shalt  }
0x7e: {  	_ =	shalt  }
0x7f: {  	_ =	shalt  }
0x80: {  	_ =	shalt  }
0x81: {  	_ =	shalt  }
0x82: {  	_ =	shalt  }
0x83: {  	_ =	shalt  }
0x84: {  	_ =	shalt  }
0x85: {  	_ =	shalt  }
0x86: {  	_ =	shalt  }
0x87: {  	_ =	shalt  }
.Lfunc_end0:
.L_simem_size_0:
called_computation_lowered:
.L_overlay_start_0:
0x88: {  	s2 =	sld [smem:$0x3FD9]  }
0x89: {  	s3 =	sld [smem:$0x3FFE];
	_ =	sdelay $0x1  }
0x8a: {  	s1 =	srdreg.scid  }
0x8b: {  	s0 =	sand.u32 $0x1, s1  }
0x8c: {  	s17 =	sshll.u32 s0, $0xA;
	s2 =	sadd.s32 s3, s2  }
0x8d: {  	s2 =	sadd.s32 s2, s17  }
0x8e: {  	[smem:$0x3FC2] =	sst s2  }
0x8f: {  	_ = 	snop  }
0x90: {  	s2 =	sld [smem:$0x3FD0];
	(tm) =	ssettm $0x1  }
0x91: {  	s18 =	sld [smem:$0x3FFB];
	_ =	sdelay $0x3  }
0x92: {  	_ =	strace s18  }
0x93: {  	s3 =	sld [smem:$0x3FFC];
	_ =	sdelay $0x3  }
0x94: {  	_ =	strace s3  }
0x95: {  	s3 =	sld [smem:$0x3FFD];
	_ =	sdelay $0x3  }
0x96: {  	_ =	strace s3  }
0x97: {  	_ =	strace $0x8FFFFFFF  }
0x98: {  	s19 =	sld [smem:$0x3FDB];
	_ =	sdelay $0x1  }
0x99: {  	s4 =	simm.s32 $_scs_section_size  }
0x9a: {  	s5 =	simm.s32 $_size__tile_overlayer_lowered;
	s6 =	simm.s32 $_tile_overlayer_lowered  }
0x9b: {  	s22 =	simm.s32 $0x1BFF;
	s21 =	sshll.u32 s6, $0x1;
	s3 =	sadd.s32 s4, s19  }
0x9c: {  	s7 =	simm.s32 $0x0;
	s20 =	sshll.u32 s5, $0x1;
	s5 =	sadd.s32 s21, s3  }
0x9d: {  	[timem:s7], [sflag:s22] =	dma.local [hbm:s5], s20  }
0x9e: {  	_ =	swait.ge [sflag:s22], s20  }
0x9f: {  	s4 =	ssub.s32 $0x0, s20;
	[sflag:s22] =	ssyncset.done $0x0  }
0xa0: {  	[sflag:s22] =	ssyncadd.s32 s4;
	_ =	sdelay $0x1  }
0xa1: {  	s23 =	simm.s32 $0x1B8B  }
0xa2: {  	_ =	swait.ge [sflag:s23], $0x1  }
0xa3: {  	[sflag:s23] =	ssyncset.done $0x0  }
0xa4: {  	s25 =	simm.s32 $0x1B8E;
	s24 =	sld [smem:$0x3FFE];
	[sflag:s23] =	ssyncadd.s32 $0xFFFFFFFF  }
0xa5: {  	s26 =	simm.s32 $execute0_lowered;
	[smem:$0x3FD2] =	sst s25  }
0xa6: {  	s5 =	sshll.u32 s26, $0x1;
	_ =	strace $0x80000046;
	[dreg:$0x1] =	wrdreg $0xFFFFFFFF  }
0xa7: {  	s28 =	simm.s32 $_size_execute0_lowered;
	s3 =	sadd.s32 s3, s5;
	[dreg:$0x0] =	wrdreg $0x0  }
0xa8: {  	s5 =	sshll.u32 s28, $0x1;
	[dreg:$0x2] =	wrdreg s3  }
0xa9: {  	[dreg:$0x3] =	wrdreg s5  }
0xaa: {  	[dreg:$0x4] =	wrdreg $0xC0  }
0xab: {  	_ =	task [dreg:s7], $0x5FFFF  }
0xac: {  	[dreg:$0x1] =	wrdreg $0xFFFFFFFF  }
0xad: {  	[dreg:$0x0] =	wrdreg $0x60  }
0xae: {  	[dreg:$0x2] =	wrdreg s24  }
0xaf: {  	[dreg:$0x3] =	wrdreg s2  }
0xb0: {  	[dreg:$0x4] =	wrdreg $0x2F800  }
0xb1: {  	[dreg:$0x5] =	wrdreg $0x9  }
0xb2: {  	_ =	task.clear_ibuf [dreg:s7], $0x6FFFF;
	_ =	strace $0x90000046  }
0xb3: {  	s29 =	simm.s32 $0x9;
	_ =	strace $0x80000048  }
0xb4: {  	_ =	swait.ge [sflag:s29], $0x1  }
0xb5: {  	[sflag:s29] =	ssyncadd.s32 $0xFFFFFFFF  }
0xb6: {  	_ =	strace $0x90000048  }
0xb7: {  	_ =	sfence  }
0xb8: {  	s30 =	sld [smem:$0x0];
	_ =	sdelay $0x2  }
0xb9: {  	s31 =	sshll.u32 s1, $0xD;
	s1 =	sshrl.u32 s1, $0x2  }
0xba: {  	s3 =	sand.u32 $0x4000, s31;
	s1 =	sadd.s32 s1, s30  }
0xbb: {  	s0 =	sor.u32 s3, s0;
	s1 =	sshll.u32 s1, $0x11  }
0xbc: {  	s0 =	sor.u32 s1, s0  }
0xbd: {  	s0 =	sadd.s32 $0x8F2B, s0  }
0xbe: {  	[sflag:s0] =	ssyncadd.remote.s32 $0x1  }
0xbf: {  	_ =	sfence.sel $0xFFFF  }
0xc0: {  	[dreg:$0x0] =	wrdreg $0xFFFFFFFF;
	(pc) =	sbr.abs _section_cstart, $3  }
0xc1: {  	[dreg:$0x1] =	wrdreg $0xFFFFFFFF  }
0xc2: {  	_ =	task.clear_ibuf [dreg:s7], $0x2FFFF;
	_ =	strace $0x9FFFFFFF  }
0xc3: {  	(tm) =	ssettm $0x7FFFFFFF  }
tec
execute0_lowered:
.L_overlay_start_1:
0x0: {  	(tag) =	ssettag $0x1  }
0x1: {  	s5 =	rddreg [dreg:$0x0]  }
0x2: {  	s1 =	srdreg.scid;
	s7 =	rddreg [dreg:$0x1]  }
0x3: {  	s0 =	stileid.u32;
	s2 =	rddreg [dreg:$0x2]  }
0x4: {  	s3 =	simm.s32 $0x0;
	s6 =	sand.u32 $0x1, s1;
	s1 =	rddreg [dreg:$0x3]  }
0x5: {  	s13 =	simm.s32 $0x1;
	s29 =	sshll.u32 s0, $0x1;
	[smem:$0x7FF] =	sst s3  }
0x6: {  	s10 =	smul.u32 $0x2800, s0;
	s31 =	sshll.u32 s0, $0x6;
	s4 =	sor.u32 s6, s29  }
0x7: {  	_ =	strace $0x80000047;
	s9 =	ssub.s32 $0x2, s6;
	s12 =	smul.u32 $0x5000, s6  }
0x8: {  	s4 =	smul.u32 $0x4F0, s4;
	s11 =	sshrl.u32 s9, $0x1;
	s30 =	sadd.s32 s10, s2  }
0x9: {  	s15 =	sshrl.u32 s10, $0x3;
	s10 =	sor.u32 $0x1C02, s31;
	s9 =	ssub.s32 s9, s11  }
0xa: {  	s14 =	sadd.s32 s7, s12;
	s11 =	sshrl.u32 s30, $0x3;
	s12 =	simm.s32 $0x80  }
0xb: {  	s8 =	sadd.s32 s4, s5;
	s4 =	sadd.s32 $0xBA00, s5;
	s5 =	sadd.s32 $0xBC00, s5  }
0xc: {  	s7 =	smax.u32 s9, $0x1;
	s9 =	simm.s32 $0x2780;
	s14 =	sadd.s32 s15, s14  }
0xd: {  	s15 =	simm.s32 $0x0;
	s6 =	sadd.s32 $0x1C00, s8;
	s8 =	simm.s32 $0x2  }
.LBB2_1:
0xe: {  	[tilespmem:s3], [sflag:$0x2] =	stream.linear.gather [hbm4b:s6+s3], $0x2780, $0x38;
	[tilespmem:$0x5780] =	vst v63  }
0xf: {  	_ =	swait.ge [sflag:s8], $0x2780  }
0x10: {  	[sflag:s8] =	ssyncset.done $0x0  }
0x11: {  	[sflag:s8] =	ssyncadd.s32 $0xFFFFD880  }
0x12: {  	[tilespmem:s9], [sflag:$0x2] =	stream.linear.gather [hbm4b:s4+s3], $0x800, $0x38;
	[tilespmem:$0x5780] =	vst v63  }
0x13: {  	_ =	swait.ge [sflag:s8], $0x800  }
0x14: {  	[sflag:s8] =	ssyncset.done $0x0  }
0x15: {  	[sflag:s8] =	ssyncadd.s32 $0xFFFFF800  }
0x16: {  	[spmem:s11], [sflag:s10] =	dma.local [hbm:s5], $0x500  }
0x17: {  	_ =	swait.ge [sflag:s8], $0x500  }
0x18: {  	[sflag:s8] =	ssyncset.done $0x0  }
0x19: {  	[sflag:s8] =	ssyncadd.s32 $0xFFFFFB00  }
0x1a: {  	s16 =	simm.s32 $0x0;
	[bflag:$0x0] =	sbarrier.arrive $0xFFFF  }
0x1b: {  	[spmem:s2] =	stream.indirect.scatter.add.f32 [tilespmem:s9], [sflag:$0x1], $0x10, s16, s12, $0xb8;
	[tilespmem:$0x5780] =	vst v63  }
0x1c: {  	_ =	swait.ge [sflag:s13], $0x800  }
0x1d: {  	s16 =	simm.s32 $0x200;
	[sflag:s13] =	ssyncset.done $0x0  }
.LBB2_2:
0x1e: {  	s17 =	sshra.s32 s16, $0x2;
	[sflag:s13] =	ssyncadd.s32 $0xFFFFF800;
	p0 =	sne.s32 s16, $0x9C00  }
0x1f: {  	[spmem:s2] =	stream.indirect.scatter.add.f32 [tilespmem:s9], [sflag:$0x1], $0x10, s17, s12, $0xb8;
	[tilespmem:$0x5780] =	vst v63  }
.Ltmp0:
0x20: {  	_ = 	snop;
	(pc) =	sbr.rel @p0 .LBB2_2-.Ltmp0, $4  }
0x21: {  	_ = 	snop  }
0x22: {  	s16 =	sadd.s32 $0x200, s16  }
0x23: {  	_ =	swait.ge [sflag:s13], $0x800  }
0x24: {  	[sflag:s13] =	ssyncset.done $0x0  }
0x25: {  	s15 =	sadd.s32 $0x1, s15  }
0x26: {  	[sflag:s13] =	ssyncadd.s32 $0xFFFFF800;
	p0 =	sne.s32 s15, s7  }
.Ltmp1:
0x27: {  	[bflag:$0x0] =	sbarrier.arrive $0xFFFF;
	(pc) =	sbr.rel @p0 .LBB2_1-.Ltmp1, $4  }
0x28: {  	[hbm:s14], [sflag:s10] =	dma.local [spmem:s11], $0x500  }
0x29: {  	_ =	swait.ge [sflag:s8], $0x500  }
0x2a: {  	[sflag:s8] =	ssyncset.done $0x0  }
0x2b: {  	[sflag:s8] =	ssyncadd.s32 $0xFFFFFB00  }
0x2c: {  	_ =	sfence.sel $0x180000  }
0x2d: {  	[bflag:$0x0] =	sbarrier.arrive $0xFFFF  }
0x2e: {  	p0 =	sne.s32 s0, $0x0;
	_ =	strace $0x90000047  }
0x2f: {  	s0 =	sadd.s32 @!p0 $0x100000, s1;
	[bflag:$0x2] =	sbarrier.arrive $0xFFFF  }
0x30: {  	[sflag:s0] =	ssyncadd.tile.s32 @!p0 $0x1;
	_ =	shalt  }
.Lfunc_end2:
_tile_overlayer_lowered:
.L_overlay_start_2:
0x31: {  	(tag) =	ssettag $0x2  }
0x32: {  	s0 =	rddreg [dreg:$0x0];
	s2 =	stileid.u32  }
0x33: {  	s1 =	rddreg [dreg:$0x1];
	p0 =	sne.s32 s2, $0x0  }
0x34: {  	s3 =	rddreg [dreg:$0x2];
	[bflag:$0x3] =	sbarrier.arrive $0xFFFF;
	s2 =	simm.s32 @!p0 $0x1C02  }
0x35: {  	[timem:s3], [sflag:s2] =	dma.local @!p0 [hbm:s0], s1  }
0x36: {  	s0 =	simm.s32 @!p0 $0x2  }
0x37: {  	_ =	swait.ge @!p0 [sflag:s0], s1  }
0x38: {  	s1 =	ssub.s32 @!p0 $0x0, s1;
	[sflag:s0] =	ssyncset.done @!p0 $0x0  }
0x39: {  	[sflag:s0] =	ssyncadd.s32 @!p0 s1  }
0x3a: {  	[bflag:$0x3] =	sbarrier.arrive $0xFFFF  }
0x3b: {  	_ =	shalt  }

</sc_bundles>
